<compile_context>
chip_gen: v7x
topology: tpu7x:2x2x1
jax: 0.10.2.dev20260603
libtpu: 0.0.44.dev20260713+nightly
codegen_flags: <defaults>
</compile_context>

<pallas_src>
import functools

import jax
import jax.numpy as jnp
from jax import lax
from jax.experimental import pallas as pl
from jax.experimental.pallas import tpu as pltpu
from jax.experimental.pallas import tpu_sc as plsc

NC, NS, LANES = 2, 16, 16
NW = NC * NS

B, N, L, D = 4096, 200, 50, 128
BATCH_PER_W = B // NW
CHUNK = 128
NBUF = 6


def _make_mesh():
    return plsc.VectorSubcoreMesh(
        core_axis_name="c", subcore_axis_name="s",
        num_cores=NC, num_subcores=NS)


@functools.partial(
    pl.kernel,
    out_type=jax.ShapeDtypeStruct((L * B, D), jnp.float32),
    mesh=_make_mesh(),
    compiler_params=pltpu.CompilerParams(use_tc_tiling_on_sc=True),
    scratch_types=[
        pltpu.VMEM((L, CHUNK), jnp.int32),
        pltpu.VMEM((NBUF, CHUNK, D), jnp.float32),
        pltpu.SemaphoreType.DMA((NBUF,)),
        pltpu.SemaphoreType.DMA((NBUF,)),
    ],
)
def _sc_gather(data_hbm, idx_hbm, out_hbm, idx_v, rows_v, gsem, osem):
    w = lax.axis_index("s") * NC + lax.axis_index("c")
    batch_base = w * BATCH_PER_W

    pltpu.sync_copy(idx_hbm.at[w], idx_v)

    lane = lax.iota(jnp.int32, LANES)

    def fix_chunk(l):
        for v in range(CHUNK // LANES):
            b = batch_base + v * LANES + lane
            sl = pl.ds(v * LANES, LANES)
            idx_v[l, sl] = idx_v[l, sl] + b * N

    def start_gather(l, buf):
        pltpu.async_copy(
            data_hbm.at[idx_v.at[l]],
            rows_v.at[buf], gsem.at[buf])

    def wait_gather(buf):
        pltpu.make_async_copy(
            data_hbm.at[pl.ds(0, CHUNK)], rows_v.at[buf], gsem.at[buf]).wait()

    def start_put(l, buf):
        out_off = pl.multiple_of(l * B + batch_base, CHUNK)
        pltpu.async_copy(
            rows_v.at[buf], out_hbm.at[pl.ds(out_off, CHUNK)], osem.at[buf])

    def wait_put(buf):
        pltpu.make_async_copy(
            rows_v.at[buf], out_hbm.at[pl.ds(0, CHUNK)], osem.at[buf]).wait()

    for g in range(NBUF):
        fix_chunk(g)
        start_gather(g, g)

    def step(l, buf):
        wait_gather(buf)
        start_put(l, buf)

        @pl.when(l + NBUF < L)
        def _():
            wait_put(buf)
            fix_chunk(l + NBUF)
            start_gather(l + NBUF, buf)

        nxt = buf + 1
        return lax.select(nxt == NBUF, 0, nxt)

    lax.fori_loop(0, L, step, 0)

    for b in range(NBUF):
        wait_put(b)


def kernel(data, indices):
    data_flat = data.reshape(B * N, D)
    idx_blocks = (indices.astype(jnp.int32).T
                  .reshape(L, NW, BATCH_PER_W)
                  .transpose(1, 0, 2)
                  .reshape(NW, L, CHUNK))
    out_flat = _sc_gather(data_flat, idx_blocks)
    return out_flat.reshape(L, B, D).transpose(1, 0, 2)

# --- scband reference (transcript-rebuilt; emitter-appended) ---
"""Pipeline reference for scband-my-model-87522843558837 (READ-ONLY COPY).

The authoritative reference and input builder live on the scoring server;
editing this copy changes nothing except your own understanding.
"""

import jax, jax.numpy as jnp
import numpy as np

def setup_inputs(seed: int = 0) -> dict:
    key = jax.random.key(seed)
    k1, k2 = jax.random.split(key)
    data = jax.random.normal(k1, (4096, 200, 128), dtype=jnp.float32)
    indices = jax.random.randint(k2, (4096, 50), 0, 200, dtype=jnp.int64)
    return {"data": data, "indices": indices}

def reference(data, indices):
    # tf.gather(data, indices, batch_dims=1):
    # data: [B, N, d], indices: [B, L] -> out: [B, L, d]
    out = jnp.take_along_axis(data, indices[:, :, None], axis=1)
    return out

if __name__ == "__main__":
    import jax
    _d = setup_inputs()
    print(jax.jit(kernel)(*tuple(_d.values())))

</pallas_src>

<mosaic_0001>
#map = affine_map<(d0, d1) -> (0, 0)>
#map1 = affine_map<(d0, d1) -> (0, 0, 0)>
module attributes {stable_mosaic.version = 14 : i64} {
  func.func @_sc_gather(%arg0: i32, %arg1: i32, %arg2: memref<819200x128xf32, #tpu.memory_space<hbm>>, %arg3: memref<32x50x128xi32, #tpu.memory_space<hbm>>, %arg4: memref<204800x128xf32, #tpu.memory_space<hbm>>, %arg5: memref<50x128xi32, #tpu.memory_space<vmem>>, %arg6: memref<6x128x128xf32, #tpu.memory_space<vmem>>, %arg7: memref<6x!tpu.dma_semaphore, #tpu.memory_space<semaphore_mem>>, %arg8: memref<6x!tpu.dma_semaphore, #tpu.memory_space<semaphore_mem>>) attributes {dimension_semantics = [#tpu.dimension_semantics<core_parallel>, #tpu.dimension_semantics<subcore_parallel>], iteration_bounds = array<i64: 2, 16>, scalar_prefetch = 0 : i64, scratch_operands = 4 : i64, tpu.core_type = #tpu.core_type<sc_vector_subcore>, window_params = [{transform_indices = #map}, {transform_indices = #map1}, {transform_indices = #map}]} {
    %mul3A = arith.constant 2 : i32
    %mul3A_0 = arith.muli %arg1, %mul3A : i32
    %add3A = arith.addi %mul3A_0, %arg0 : i32
    %mul3A_1 = arith.constant 128 : i32
    %mul3A_2 = arith.muli %add3A, %mul3A_1 : i32
    "tpu.region"() ({
      %run_scoped3A = tpu.sem_alloc : memref<!tpu.dma_semaphore, #tpu.memory_space<semaphore_mem>>
      %dma_start3A_1115 = arith.constant 0 : i32
      %dma_start3A_1116 = arith.constant 0 : i32
      %dma_start3A_1117 = tpu.memref_slice %arg3[%add3A, %dma_start3A_1115, %dma_start3A_1116] : memref<32x50x128xi32, #tpu.memory_space<hbm>> -> memref<1x50x128xi32, #tpu.memory_space<hbm>>
      %dma_start3A_1118 = tpu.memref_squeeze %dma_start3A_1117 : memref<1x50x128xi32, #tpu.memory_space<hbm>> -> memref<50x128xi32, #tpu.memory_space<hbm>>
      %dma_start3A_1119 = arith.constant 0 : i32
      %dma_start3A_1120 = arith.constant 0 : i32
      %dma_start3A_1121 = tpu.memref_slice %arg3[%add3A, %dma_start3A_1119, %dma_start3A_1120] : memref<32x50x128xi32, #tpu.memory_space<hbm>> -> memref<1x50x128xi32, #tpu.memory_space<hbm>>
      %dma_start3A_1122 = tpu.memref_squeeze %dma_start3A_1121 : memref<1x50x128xi32, #tpu.memory_space<hbm>> -> memref<50x128xi32, #tpu.memory_space<hbm>>
      tpu.enqueue_dma source(%dma_start3A_1122 : memref<50x128xi32, #tpu.memory_space<hbm>>) target(%arg5 : memref<50x128xi32, #tpu.memory_space<vmem>>) target_semaphore(%run_scoped3A : memref<!tpu.dma_semaphore, #tpu.memory_space<semaphore_mem>>)
      %dma_wait3A_1123 = arith.constant 0 : i32
      %dma_wait3A_1124 = arith.constant 0 : i32
      %dma_wait3A_1125 = tpu.memref_slice %arg3[%add3A, %dma_wait3A_1123, %dma_wait3A_1124] : memref<32x50x128xi32, #tpu.memory_space<hbm>> -> memref<1x50x128xi32, #tpu.memory_space<hbm>>
      %dma_wait3A_1126 = tpu.memref_squeeze %dma_wait3A_1125 : memref<1x50x128xi32, #tpu.memory_space<hbm>> -> memref<50x128xi32, #tpu.memory_space<hbm>>
      %dma_wait3A_1127 = arith.constant 0 : i32
      %dma_wait3A_1128 = arith.constant 0 : i32
      %dma_wait3A_1129 = tpu.memref_slice %arg3[%add3A, %dma_wait3A_1127, %dma_wait3A_1128] : memref<32x50x128xi32, #tpu.memory_space<hbm>> -> memref<1x50x128xi32, #tpu.memory_space<hbm>>
      %dma_wait3A_1130 = tpu.memref_squeeze %dma_wait3A_1129 : memref<1x50x128xi32, #tpu.memory_space<hbm>> -> memref<50x128xi32, #tpu.memory_space<hbm>>
      tpu.wait_dma2 semaphore(%run_scoped3A : memref<!tpu.dma_semaphore, #tpu.memory_space<semaphore_mem>>) src(%dma_wait3A_1130 : memref<50x128xi32, #tpu.memory_space<hbm>>) dst(%arg5 : memref<50x128xi32, #tpu.memory_space<vmem>>)
      tpu.yield
    }) : () -> ()
    %iota3A = tpu.iota {dimensions = array<i32: 0>} : vector<16xi32>
    %add3A_3 = arith.constant 0 : i32
    %add3A_4 = arith.addi %mul3A_2, %add3A_3 : i32
    %add3A_5 = vector.broadcast %add3A_4 : i32 to vector<16xi32>
    %add3A_6 = arith.addi %add3A_5, %iota3A : vector<16xi32>
    %get3A = arith.constant 0 : i32
    %get3A_7 = arith.index_cast %get3A : i32 to index
    %get3A_8 = arith.constant 0 : index
    %get3A_9 = tpu.vector_load %arg5[%get3A_7, %get3A_8] {strides = array<i32>} : memref<50x128xi32, #tpu.memory_space<vmem>>, vector<1x16xi32>,
    %get3A_10 = vector.shape_cast %get3A_9 : vector<1x16xi32> to vector<16xi32>
    %mul3A_11 = arith.constant 200 : i32
    %mul3A_12 = vector.broadcast %mul3A_11 : i32 to vector<16xi32>
    %mul3A_13 = arith.muli %add3A_6, %mul3A_12 : vector<16xi32>
    %add3A_14 = arith.addi %get3A_10, %mul3A_13 : vector<16xi32>
    %swap3A = arith.constant 0 : i32
    %swap3A_15 = arith.index_cast %swap3A : i32 to index
    %swap3A_16 = arith.constant 0 : index
    %swap3A_17 = tpu.vector_load %arg5[%swap3A_15, %swap3A_16] {strides = array<i32>} : memref<50x128xi32, #tpu.memory_space<vmem>>, vector<1x16xi32>,
    %swap3A_18 = vector.shape_cast %swap3A_17 : vector<1x16xi32> to vector<16xi32>
    %swap3A_19 = vector.shape_cast %add3A_14 : vector<16xi32> to vector<1x16xi32>
    tpu.vector_store %arg5[%swap3A_15, %swap3A_16], %swap3A_19 {strides = array<i32>} : memref<50x128xi32, #tpu.memory_space<vmem>>, vector<1x16xi32>,
    %add3A_20 = arith.constant 16 : i32
    %add3A_21 = arith.addi %mul3A_2, %add3A_20 : i32
    %add3A_22 = vector.broadcast %add3A_21 : i32 to vector<16xi32>
    %add3A_23 = arith.addi %add3A_22, %iota3A : vector<16xi32>
    %get3A_24 = arith.constant 0 : i32
    %get3A_25 = arith.index_cast %get3A_24 : i32 to index
    %get3A_26 = arith.constant 16 : index
    %get3A_27 = tpu.vector_load %arg5[%get3A_25, %get3A_26] {strides = array<i32>} : memref<50x128xi32, #tpu.memory_space<vmem>>, vector<1x16xi32>,
    %get3A_28 = vector.shape_cast %get3A_27 : vector<1x16xi32> to vector<16xi32>
    %mul3A_29 = arith.constant 200 : i32
    %mul3A_30 = vector.broadcast %mul3A_29 : i32 to vector<16xi32>
    %mul3A_31 = arith.muli %add3A_23, %mul3A_30 : vector<16xi32>
    %add3A_32 = arith.addi %get3A_28, %mul3A_31 : vector<16xi32>
    %swap3A_33 = arith.constant 0 : i32
    %swap3A_34 = arith.index_cast %swap3A_33 : i32 to index
    %swap3A_35 = arith.constant 16 : index
    %swap3A_36 = tpu.vector_load %arg5[%swap3A_34, %swap3A_35] {strides = array<i32>} : memref<50x128xi32, #tpu.memory_space<vmem>>, vector<1x16xi32>,
    %swap3A_37 = vector.shape_cast %swap3A_36 : vector<1x16xi32> to vector<16xi32>
    %swap3A_38 = vector.shape_cast %add3A_32 : vector<16xi32> to vector<1x16xi32>
    tpu.vector_store %arg5[%swap3A_34, %swap3A_35], %swap3A_38 {strides = array<i32>} : memref<50x128xi32, #tpu.memory_space<vmem>>, vector<1x16xi32>,
    %add3A_39 = arith.constant 32 : i32
    %add3A_40 = arith.addi %mul3A_2, %add3A_39 : i32
    %add3A_41 = vector.broadcast %add3A_40 : i32 to vector<16xi32>
    %add3A_42 = arith.addi %add3A_41, %iota3A : vector<16xi32>
    %get3A_43 = arith.constant 0 : i32
    %get3A_44 = arith.index_cast %get3A_43 : i32 to index
    %get3A_45 = arith.constant 32 : index
    %get3A_46 = tpu.vector_load %arg5[%get3A_44, %get3A_45] {strides = array<i32>} : memref<50x128xi32, #tpu.memory_space<vmem>>, vector<1x16xi32>,
    %get3A_47 = vector.shape_cast %get3A_46 : vector<1x16xi32> to vector<16xi32>
    %mul3A_48 = arith.constant 200 : i32
    %mul3A_49 = vector.broadcast %mul3A_48 : i32 to vector<16xi32>
    %mul3A_50 = arith.muli %add3A_42, %mul3A_49 : vector<16xi32>
    %add3A_51 = arith.addi %get3A_47, %mul3A_50 : vector<16xi32>
    %swap3A_52 = arith.constant 0 : i32
    %swap3A_53 = arith.index_cast %swap3A_52 : i32 to index
    %swap3A_54 = arith.constant 32 : index
    %swap3A_55 = tpu.vector_load %arg5[%swap3A_53, %swap3A_54] {strides = array<i32>} : memref<50x128xi32, #tpu.memory_space<vmem>>, vector<1x16xi32>,
    %swap3A_56 = vector.shape_cast %swap3A_55 : vector<1x16xi32> to vector<16xi32>
    %swap3A_57 = vector.shape_cast %add3A_51 : vector<16xi32> to vector<1x16xi32>
    tpu.vector_store %arg5[%swap3A_53, %swap3A_54], %swap3A_57 {strides = array<i32>} : memref<50x128xi32, #tpu.memory_space<vmem>>, vector<1x16xi32>,
    %add3A_58 = arith.constant 48 : i32
    %add3A_59 = arith.addi %mul3A_2, %add3A_58 : i32
    %add3A_60 = vector.broadcast %add3A_59 : i32 to vector<16xi32>
    %add3A_61 = arith.addi %add3A_60, %iota3A : vector<16xi32>
    %get3A_62 = arith.constant 0 : i32
    %get3A_63 = arith.index_cast %get3A_62 : i32 to index
    %get3A_64 = arith.constant 48 : index
    %get3A_65 = tpu.vector_load %arg5[%get3A_63, %get3A_64] {strides = array<i32>} : memref<50x128xi32, #tpu.memory_space<vmem>>, vector<1x16xi32>,
    %get3A_66 = vector.shape_cast %get3A_65 : vector<1x16xi32> to vector<16xi32>
    %mul3A_67 = arith.constant 200 : i32
    %mul3A_68 = vector.broadcast %mul3A_67 : i32 to vector<16xi32>
    %mul3A_69 = arith.muli %add3A_61, %mul3A_68 : vector<16xi32>
    %add3A_70 = arith.addi %get3A_66, %mul3A_69 : vector<16xi32>
    %swap3A_71 = arith.constant 0 : i32
    %swap3A_72 = arith.index_cast %swap3A_71 : i32 to index
    %swap3A_73 = arith.constant 48 : index
    %swap3A_74 = tpu.vector_load %arg5[%swap3A_72, %swap3A_73] {strides = array<i32>} : memref<50x128xi32, #tpu.memory_space<vmem>>, vector<1x16xi32>,
    %swap3A_75 = vector.shape_cast %swap3A_74 : vector<1x16xi32> to vector<16xi32>
    %swap3A_76 = vector.shape_cast %add3A_70 : vector<16xi32> to vector<1x16xi32>
    tpu.vector_store %arg5[%swap3A_72, %swap3A_73], %swap3A_76 {strides = array<i32>} : memref<50x128xi32, #tpu.memory_space<vmem>>, vector<1x16xi32>,
    %add3A_77 = arith.constant 64 : i32
    %add3A_78 = arith.addi %mul3A_2, %add3A_77 : i32
    %add3A_79 = vector.broadcast %add3A_78 : i32 to vector<16xi32>
    %add3A_80 = arith.addi %add3A_79, %iota3A : vector<16xi32>
    %get3A_81 = arith.constant 0 : i32
    %get3A_82 = arith.index_cast %get3A_81 : i32 to index
    %get3A_83 = arith.constant 64 : index
    %get3A_84 = tpu.vector_load %arg5[%get3A_82, %get3A_83] {strides = array<i32>} : memref<50x128xi32, #tpu.memory_space<vmem>>, vector<1x16xi32>,
    %get3A_85 = vector.shape_cast %get3A_84 : vector<1x16xi32> to vector<16xi32>
    %mul3A_86 = arith.constant 200 : i32
    %mul3A_87 = vector.broadcast %mul3A_86 : i32 to vector<16xi32>
    %mul3A_88 = arith.muli %add3A_80, %mul3A_87 : vector<16xi32>
    %add3A_89 = arith.addi %get3A_85, %mul3A_88 : vector<16xi32>
    %swap3A_90 = arith.constant 0 : i32
    %swap3A_91 = arith.index_cast %swap3A_90 : i32 to index
    %swap3A_92 = arith.constant 64 : index
    %swap3A_93 = tpu.vector_load %arg5[%swap3A_91, %swap3A_92] {strides = array<i32>} : memref<50x128xi32, #tpu.memory_space<vmem>>, vector<1x16xi32>,
    %swap3A_94 = vector.shape_cast %swap3A_93 : vector<1x16xi32> to vector<16xi32>
    %swap3A_95 = vector.shape_cast %add3A_89 : vector<16xi32> to vector<1x16xi32>
    tpu.vector_store %arg5[%swap3A_91, %swap3A_92], %swap3A_95 {strides = array<i32>} : memref<50x128xi32, #tpu.memory_space<vmem>>, vector<1x16xi32>,
    %add3A_96 = arith.constant 80 : i32
    %add3A_97 = arith.addi %mul3A_2, %add3A_96 : i32
    %add3A_98 = vector.broadcast %add3A_97 : i32 to vector<16xi32>
    %add3A_99 = arith.addi %add3A_98, %iota3A : vector<16xi32>
    %get3A_100 = arith.constant 0 : i32
    %get3A_101 = arith.index_cast %get3A_100 : i32 to index
    %get3A_102 = arith.constant 80 : index
    %get3A_103 = tpu.vector_load %arg5[%get3A_101, %get3A_102] {strides = array<i32>} : memref<50x128xi32, #tpu.memory_space<vmem>>, vector<1x16xi32>,
    %get3A_104 = vector.shape_cast %get3A_103 : vector<1x16xi32> to vector<16xi32>
    %mul3A_105 = arith.constant 200 : i32
    %mul3A_106 = vector.broadcast %mul3A_105 : i32 to vector<16xi32>
    %mul3A_107 = arith.muli %add3A_99, %mul3A_106 : vector<16xi32>
    %add3A_108 = arith.addi %get3A_104, %mul3A_107 : vector<16xi32>
    %swap3A_109 = arith.constant 0 : i32
    %swap3A_110 = arith.index_cast %swap3A_109 : i32 to index
    %swap3A_111 = arith.constant 80 : index
    %swap3A_112 = tpu.vector_load %arg5[%swap3A_110, %swap3A_111] {strides = array<i32>} : memref<50x128xi32, #tpu.memory_space<vmem>>, vector<1x16xi32>,
    %swap3A_113 = vector.shape_cast %swap3A_112 : vector<1x16xi32> to vector<16xi32>
    %swap3A_114 = vector.shape_cast %add3A_108 : vector<16xi32> to vector<1x16xi32>
    tpu.vector_store %arg5[%swap3A_110, %swap3A_111], %swap3A_114 {strides = array<i32>} : memref<50x128xi32, #tpu.memory_space<vmem>>, vector<1x16xi32>,
    %add3A_115 = arith.constant 96 : i32
    %add3A_116 = arith.addi %mul3A_2, %add3A_115 : i32
    %add3A_117 = vector.broadcast %add3A_116 : i32 to vector<16xi32>
    %add3A_118 = arith.addi %add3A_117, %iota3A : vector<16xi32>
    %get3A_119 = arith.constant 0 : i32
    %get3A_120 = arith.index_cast %get3A_119 : i32 to index
    %get3A_121 = arith.constant 96 : index
    %get3A_122 = tpu.vector_load %arg5[%get3A_120, %get3A_121] {strides = array<i32>} : memref<50x128xi32, #tpu.memory_space<vmem>>, vector<1x16xi32>,
    %get3A_123 = vector.shape_cast %get3A_122 : vector<1x16xi32> to vector<16xi32>
    %mul3A_124 = arith.constant 200 : i32
    %mul3A_125 = vector.broadcast %mul3A_124 : i32 to vector<16xi32>
    %mul3A_126 = arith.muli %add3A_118, %mul3A_125 : vector<16xi32>
    %add3A_127 = arith.addi %get3A_123, %mul3A_126 : vector<16xi32>
    %swap3A_128 = arith.constant 0 : i32
    %swap3A_129 = arith.index_cast %swap3A_128 : i32 to index
    %swap3A_130 = arith.constant 96 : index
    %swap3A_131 = tpu.vector_load %arg5[%swap3A_129, %swap3A_130] {strides = array<i32>} : memref<50x128xi32, #tpu.memory_space<vmem>>, vector<1x16xi32>,
    %swap3A_132 = vector.shape_cast %swap3A_131 : vector<1x16xi32> to vector<16xi32>
    %swap3A_133 = vector.shape_cast %add3A_127 : vector<16xi32> to vector<1x16xi32>
    tpu.vector_store %arg5[%swap3A_129, %swap3A_130], %swap3A_133 {strides = array<i32>} : memref<50x128xi32, #tpu.memory_space<vmem>>, vector<1x16xi32>,
    %add3A_134 = arith.constant 112 : i32
    %add3A_135 = arith.addi %mul3A_2, %add3A_134 : i32
    %add3A_136 = vector.broadcast %add3A_135 : i32 to vector<16xi32>
    %add3A_137 = arith.addi %add3A_136, %iota3A : vector<16xi32>
    %get3A_138 = arith.constant 0 : i32
    %get3A_139 = arith.index_cast %get3A_138 : i32 to index
    %get3A_140 = arith.constant 112 : index
    %get3A_141 = tpu.vector_load %arg5[%get3A_139, %get3A_140] {strides = array<i32>} : memref<50x128xi32, #tpu.memory_space<vmem>>, vector<1x16xi32>,
    %get3A_142 = vector.shape_cast %get3A_141 : vector<1x16xi32> to vector<16xi32>
    %mul3A_143 = arith.constant 200 : i32
    %mul3A_144 = vector.broadcast %mul3A_143 : i32 to vector<16xi32>
    %mul3A_145 = arith.muli %add3A_137, %mul3A_144 : vector<16xi32>
    %add3A_146 = arith.addi %get3A_142, %mul3A_145 : vector<16xi32>
    %swap3A_147 = arith.constant 0 : i32
    %swap3A_148 = arith.index_cast %swap3A_147 : i32 to index
    %swap3A_149 = arith.constant 112 : index
    %swap3A_150 = tpu.vector_load %arg5[%swap3A_148, %swap3A_149] {strides = array<i32>} : memref<50x128xi32, #tpu.memory_space<vmem>>, vector<1x16xi32>,
    %swap3A_151 = vector.shape_cast %swap3A_150 : vector<1x16xi32> to vector<16xi32>
    %swap3A_152 = vector.shape_cast %add3A_146 : vector<16xi32> to vector<1x16xi32>
    tpu.vector_store %arg5[%swap3A_148, %swap3A_149], %swap3A_152 {strides = array<i32>} : memref<50x128xi32, #tpu.memory_space<vmem>>, vector<1x16xi32>,
    %dma_start3A = arith.constant 0 : i32
    %dma_start3A_153 = arith.constant 0 : i32
    %dma_start3A_154 = arith.constant 0 : i32
    %dma_start3A_155 = arith.constant 0 : i32
    %dma_start3A_156 = arith.constant 0 : i32
    %dma_start3A_157 = tpu.memref_slice %arg6[%dma_start3A_153, %dma_start3A_155, %dma_start3A_156] : memref<6x128x128xf32, #tpu.memory_space<vmem>> -> memref<1x128x128xf32, #tpu.memory_space<vmem>>
    %dma_start3A_158 = tpu.memref_squeeze %dma_start3A_157 : memref<1x128x128xf32, #tpu.memory_space<vmem>> -> memref<128x128xf32, #tpu.memory_space<vmem>>
    %dma_start3A_159 = arith.constant 0 : i32
    %dma_start3A_160 = tpu.memref_slice %arg5[%dma_start3A, %dma_start3A_159] : memref<50x128xi32, #tpu.memory_space<vmem>> -> memref<1x128xi32, #tpu.memory_space<vmem>>
    %dma_start3A_161 = tpu.memref_squeeze %dma_start3A_160 : memref<1x128xi32, #tpu.memory_space<vmem>> -> memref<128xi32, #tpu.memory_space<vmem>>
    %dma_start3A_162 = arith.constant 0 : i32
    %dma_start3A_163 = arith.constant 0 : i32
    %dma_start3A_164 = tpu.memref_slice %arg2[%dma_start3A_162, %dma_start3A_163] : memref<819200x128xf32, #tpu.memory_space<hbm>> -> memref<819200x128xf32, #tpu.memory_space<hbm>>
    %dma_start3A_165 = tpu.memref_slice %arg7[%dma_start3A_154] : memref<6x!tpu.dma_semaphore, #tpu.memory_space<semaphore_mem>> -> memref<1x!tpu.dma_semaphore, #tpu.memory_space<semaphore_mem>>
    %dma_start3A_166 = tpu.memref_squeeze %dma_start3A_165 : memref<1x!tpu.dma_semaphore, #tpu.memory_space<semaphore_mem>> -> memref<!tpu.dma_semaphore, #tpu.memory_space<semaphore_mem>>
    tpu.enqueue_indirect_dma source(%dma_start3A_164 : memref<819200x128xf32, #tpu.memory_space<hbm>>) target(%dma_start3A_158 : memref<128x128xf32, #tpu.memory_space<vmem>>) offsets(%dma_start3A_161 : memref<128xi32, #tpu.memory_space<vmem>>) semaphore(%dma_start3A_166 : memref<!tpu.dma_semaphore, #tpu.memory_space<semaphore_mem>>)
    %add3A_167 = arith.constant 0 : i32
    %add3A_168 = arith.addi %mul3A_2, %add3A_167 : i32
    %add3A_169 = vector.broadcast %add3A_168 : i32 to vector<16xi32>
    %add3A_170 = arith.addi %add3A_169, %iota3A : vector<16xi32>
    %get3A_171 = arith.constant 1 : i32
    %get3A_172 = arith.index_cast %get3A_171 : i32 to index
    %get3A_173 = arith.constant 0 : index
    %get3A_174 = tpu.vector_load %arg5[%get3A_172, %get3A_173] {strides = array<i32>} : memref<50x128xi32, #tpu.memory_space<vmem>>, vector<1x16xi32>,
    %get3A_175 = vector.shape_cast %get3A_174 : vector<1x16xi32> to vector<16xi32>
    %mul3A_176 = arith.constant 200 : i32
    %mul3A_177 = vector.broadcast %mul3A_176 : i32 to vector<16xi32>
    %mul3A_178 = arith.muli %add3A_170, %mul3A_177 : vector<16xi32>
    %add3A_179 = arith.addi %get3A_175, %mul3A_178 : vector<16xi32>
    %swap3A_180 = arith.constant 1 : i32
    %swap3A_181 = arith.index_cast %swap3A_180 : i32 to index
    %swap3A_182 = arith.constant 0 : index
    %swap3A_183 = tpu.vector_load %arg5[%swap3A_181, %swap3A_182] {strides = array<i32>} : memref<50x128xi32, #tpu.memory_space<vmem>>, vector<1x16xi32>,
    %swap3A_184 = vector.shape_cast %swap3A_183 : vector<1x16xi32> to vector<16xi32>
    %swap3A_185 = vector.shape_cast %add3A_179 : vector<16xi32> to vector<1x16xi32>
    tpu.vector_store %arg5[%swap3A_181, %swap3A_182], %swap3A_185 {strides = array<i32>} : memref<50x128xi32, #tpu.memory_space<vmem>>, vector<1x16xi32>,
    %add3A_186 = arith.constant 16 : i32
    %add3A_187 = arith.addi %mul3A_2, %add3A_186 : i32
    %add3A_188 = vector.broadcast %add3A_187 : i32 to vector<16xi32>
    %add3A_189 = arith.addi %add3A_188, %iota3A : vector<16xi32>
    %get3A_190 = arith.constant 1 : i32
    %get3A_191 = arith.index_cast %get3A_190 : i32 to index
    %get3A_192 = arith.constant 16 : index
    %get3A_193 = tpu.vector_load %arg5[%get3A_191, %get3A_192] {strides = array<i32>} : memref<50x128xi32, #tpu.memory_space<vmem>>, vector<1x16xi32>,
    %get3A_194 = vector.shape_cast %get3A_193 : vector<1x16xi32> to vector<16xi32>
    %mul3A_195 = arith.constant 200 : i32
    %mul3A_196 = vector.broadcast %mul3A_195 : i32 to vector<16xi32>
    %mul3A_197 = arith.muli %add3A_189, %mul3A_196 : vector<16xi32>
    %add3A_198 = arith.addi %get3A_194, %mul3A_197 : vector<16xi32>
    %swap3A_199 = arith.constant 1 : i32
    %swap3A_200 = arith.index_cast %swap3A_199 : i32 to index
    %swap3A_201 = arith.constant 16 : index
    %swap3A_202 = tpu.vector_load %arg5[%swap3A_200, %swap3A_201] {strides = array<i32>} : memref<50x128xi32, #tpu.memory_space<vmem>>, vector<1x16xi32>,
    %swap3A_203 = vector.shape_cast %swap3A_202 : vector<1x16xi32> to vector<16xi32>
    %swap3A_204 = vector.shape_cast %add3A_198 : vector<16xi32> to vector<1x16xi32>
    tpu.vector_store %arg5[%swap3A_200, %swap3A_201], %swap3A_204 {strides = array<i32>} : memref<50x128xi32, #tpu.memory_space<vmem>>, vector<1x16xi32>,
    %add3A_205 = arith.constant 32 : i32
    %add3A_206 = arith.addi %mul3A_2, %add3A_205 : i32
    %add3A_207 = vector.broadcast %add3A_206 : i32 to vector<16xi32>
    %add3A_208 = arith.addi %add3A_207, %iota3A : vector<16xi32>
    %get3A_209 = arith.constant 1 : i32
    %get3A_210 = arith.index_cast %get3A_209 : i32 to index
    %get3A_211 = arith.constant 32 : index
    %get3A_212 = tpu.vector_load %arg5[%get3A_210, %get3A_211] {strides = array<i32>} : memref<50x128xi32, #tpu.memory_space<vmem>>, vector<1x16xi32>,
    %get3A_213 = vector.shape_cast %get3A_212 : vector<1x16xi32> to vector<16xi32>
    %mul3A_214 = arith.constant 200 : i32
    %mul3A_215 = vector.broadcast %mul3A_214 : i32 to vector<16xi32>
    %mul3A_216 = arith.muli %add3A_208, %mul3A_215 : vector<16xi32>
    %add3A_217 = arith.addi %get3A_213, %mul3A_216 : vector<16xi32>
    %swap3A_218 = arith.constant 1 : i32
    %swap3A_219 = arith.index_cast %swap3A_218 : i32 to index
    %swap3A_220 = arith.constant 32 : index
    %swap3A_221 = tpu.vector_load %arg5[%swap3A_219, %swap3A_220] {strides = array<i32>} : memref<50x128xi32, #tpu.memory_space<vmem>>, vector<1x16xi32>,
    %swap3A_222 = vector.shape_cast %swap3A_221 : vector<1x16xi32> to vector<16xi32>
    %swap3A_223 = vector.shape_cast %add3A_217 : vector<16xi32> to vector<1x16xi32>
    tpu.vector_store %arg5[%swap3A_219, %swap3A_220], %swap3A_223 {strides = array<i32>} : memref<50x128xi32, #tpu.memory_space<vmem>>, vector<1x16xi32>,
    %add3A_224 = arith.constant 48 : i32
    %add3A_225 = arith.addi %mul3A_2, %add3A_224 : i32
    %add3A_226 = vector.broadcast %add3A_225 : i32 to vector<16xi32>
    %add3A_227 = arith.addi %add3A_226, %iota3A : vector<16xi32>
    %get3A_228 = arith.constant 1 : i32
    %get3A_229 = arith.index_cast %get3A_228 : i32 to index
    %get3A_230 = arith.constant 48 : index
    %get3A_231 = tpu.vector_load %arg5[%get3A_229, %get3A_230] {strides = array<i32>} : memref<50x128xi32, #tpu.memory_space<vmem>>, vector<1x16xi32>,
    %get3A_232 = vector.shape_cast %get3A_231 : vector<1x16xi32> to vector<16xi32>
    %mul3A_233 = arith.constant 200 : i32
    %mul3A_234 = vector.broadcast %mul3A_233 : i32 to vector<16xi32>
    %mul3A_235 = arith.muli %add3A_227, %mul3A_234 : vector<16xi32>
    %add3A_236 = arith.addi %get3A_232, %mul3A_235 : vector<16xi32>
    %swap3A_237 = arith.constant 1 : i32
    %swap3A_238 = arith.index_cast %swap3A_237 : i32 to index
    %swap3A_239 = arith.constant 48 : index
    %swap3A_240 = tpu.vector_load %arg5[%swap3A_238, %swap3A_239] {strides = array<i32>} : memref<50x128xi32, #tpu.memory_space<vmem>>, vector<1x16xi32>,
    %swap3A_241 = vector.shape_cast %swap3A_240 : vector<1x16xi32> to vector<16xi32>
    %swap3A_242 = vector.shape_cast %add3A_236 : vector<16xi32> to vector<1x16xi32>
    tpu.vector_store %arg5[%swap3A_238, %swap3A_239], %swap3A_242 {strides = array<i32>} : memref<50x128xi32, #tpu.memory_space<vmem>>, vector<1x16xi32>,
    %add3A_243 = arith.constant 64 : i32
    %add3A_244 = arith.addi %mul3A_2, %add3A_243 : i32
    %add3A_245 = vector.broadcast %add3A_244 : i32 to vector<16xi32>
    %add3A_246 = arith.addi %add3A_245, %iota3A : vector<16xi32>
    %get3A_247 = arith.constant 1 : i32
    %get3A_248 = arith.index_cast %get3A_247 : i32 to index
    %get3A_249 = arith.constant 64 : index
    %get3A_250 = tpu.vector_load %arg5[%get3A_248, %get3A_249] {strides = array<i32>} : memref<50x128xi32, #tpu.memory_space<vmem>>, vector<1x16xi32>,
    %get3A_251 = vector.shape_cast %get3A_250 : vector<1x16xi32> to vector<16xi32>
    %mul3A_252 = arith.constant 200 : i32
    %mul3A_253 = vector.broadcast %mul3A_252 : i32 to vector<16xi32>
    %mul3A_254 = arith.muli %add3A_246, %mul3A_253 : vector<16xi32>
    %add3A_255 = arith.addi %get3A_251, %mul3A_254 : vector<16xi32>
    %swap3A_256 = arith.constant 1 : i32
    %swap3A_257 = arith.index_cast %swap3A_256 : i32 to index
    %swap3A_258 = arith.constant 64 : index
    %swap3A_259 = tpu.vector_load %arg5[%swap3A_257, %swap3A_258] {strides = array<i32>} : memref<50x128xi32, #tpu.memory_space<vmem>>, vector<1x16xi32>,
    %swap3A_260 = vector.shape_cast %swap3A_259 : vector<1x16xi32> to vector<16xi32>
    %swap3A_261 = vector.shape_cast %add3A_255 : vector<16xi32> to vector<1x16xi32>
    tpu.vector_store %arg5[%swap3A_257, %swap3A_258], %swap3A_261 {strides = array<i32>} : memref<50x128xi32, #tpu.memory_space<vmem>>, vector<1x16xi32>,
    %add3A_262 = arith.constant 80 : i32
    %add3A_263 = arith.addi %mul3A_2, %add3A_262 : i32
    %add3A_264 = vector.broadcast %add3A_263 : i32 to vector<16xi32>
    %add3A_265 = arith.addi %add3A_264, %iota3A : vector<16xi32>
    %get3A_266 = arith.constant 1 : i32
    %get3A_267 = arith.index_cast %get3A_266 : i32 to index
    %get3A_268 = arith.constant 80 : index
    %get3A_269 = tpu.vector_load %arg5[%get3A_267, %get3A_268] {strides = array<i32>} : memref<50x128xi32, #tpu.memory_space<vmem>>, vector<1x16xi32>,
    %get3A_270 = vector.shape_cast %get3A_269 : vector<1x16xi32> to vector<16xi32>
    %mul3A_271 = arith.constant 200 : i32
    %mul3A_272 = vector.broadcast %mul3A_271 : i32 to vector<16xi32>
    %mul3A_273 = arith.muli %add3A_265, %mul3A_272 : vector<16xi32>
    %add3A_274 = arith.addi %get3A_270, %mul3A_273 : vector<16xi32>
    %swap3A_275 = arith.constant 1 : i32
    %swap3A_276 = arith.index_cast %swap3A_275 : i32 to index
    %swap3A_277 = arith.constant 80 : index
    %swap3A_278 = tpu.vector_load %arg5[%swap3A_276, %swap3A_277] {strides = array<i32>} : memref<50x128xi32, #tpu.memory_space<vmem>>, vector<1x16xi32>,
    %swap3A_279 = vector.shape_cast %swap3A_278 : vector<1x16xi32> to vector<16xi32>
    %swap3A_280 = vector.shape_cast %add3A_274 : vector<16xi32> to vector<1x16xi32>
    tpu.vector_store %arg5[%swap3A_276, %swap3A_277], %swap3A_280 {strides = array<i32>} : memref<50x128xi32, #tpu.memory_space<vmem>>, vector<1x16xi32>,
    %add3A_281 = arith.constant 96 : i32
    %add3A_282 = arith.addi %mul3A_2, %add3A_281 : i32
    %add3A_283 = vector.broadcast %add3A_282 : i32 to vector<16xi32>
    %add3A_284 = arith.addi %add3A_283, %iota3A : vector<16xi32>
    %get3A_285 = arith.constant 1 : i32
    %get3A_286 = arith.index_cast %get3A_285 : i32 to index
    %get3A_287 = arith.constant 96 : index
    %get3A_288 = tpu.vector_load %arg5[%get3A_286, %get3A_287] {strides = array<i32>} : memref<50x128xi32, #tpu.memory_space<vmem>>, vector<1x16xi32>,
    %get3A_289 = vector.shape_cast %get3A_288 : vector<1x16xi32> to vector<16xi32>
    %mul3A_290 = arith.constant 200 : i32
    %mul3A_291 = vector.broadcast %mul3A_290 : i32 to vector<16xi32>
    %mul3A_292 = arith.muli %add3A_284, %mul3A_291 : vector<16xi32>
    %add3A_293 = arith.addi %get3A_289, %mul3A_292 : vector<16xi32>
    %swap3A_294 = arith.constant 1 : i32
    %swap3A_295 = arith.index_cast %swap3A_294 : i32 to index
    %swap3A_296 = arith.constant 96 : index
    %swap3A_297 = tpu.vector_load %arg5[%swap3A_295, %swap3A_296] {strides = array<i32>} : memref<50x128xi32, #tpu.memory_space<vmem>>, vector<1x16xi32>,
    %swap3A_298 = vector.shape_cast %swap3A_297 : vector<1x16xi32> to vector<16xi32>
    %swap3A_299 = vector.shape_cast %add3A_293 : vector<16xi32> to vector<1x16xi32>
    tpu.vector_store %arg5[%swap3A_295, %swap3A_296], %swap3A_299 {strides = array<i32>} : memref<50x128xi32, #tpu.memory_space<vmem>>, vector<1x16xi32>,
    %add3A_300 = arith.constant 112 : i32
    %add3A_301 = arith.addi %mul3A_2, %add3A_300 : i32
    %add3A_302 = vector.broadcast %add3A_301 : i32 to vector<16xi32>
    %add3A_303 = arith.addi %add3A_302, %iota3A : vector<16xi32>
    %get3A_304 = arith.constant 1 : i32
    %get3A_305 = arith.index_cast %get3A_304 : i32 to index
    %get3A_306 = arith.constant 112 : index
    %get3A_307 = tpu.vector_load %arg5[%get3A_305, %get3A_306] {strides = array<i32>} : memref<50x128xi32, #tpu.memory_space<vmem>>, vector<1x16xi32>,
    %get3A_308 = vector.shape_cast %get3A_307 : vector<1x16xi32> to vector<16xi32>
    %mul3A_309 = arith.constant 200 : i32
    %mul3A_310 = vector.broadcast %mul3A_309 : i32 to vector<16xi32>
    %mul3A_311 = arith.muli %add3A_303, %mul3A_310 : vector<16xi32>
    %add3A_312 = arith.addi %get3A_308, %mul3A_311 : vector<16xi32>
    %swap3A_313 = arith.constant 1 : i32
    %swap3A_314 = arith.index_cast %swap3A_313 : i32 to index
    %swap3A_315 = arith.constant 112 : index
    %swap3A_316 = tpu.vector_load %arg5[%swap3A_314, %swap3A_315] {strides = array<i32>} : memref<50x128xi32, #tpu.memory_space<vmem>>, vector<1x16xi32>,
    %swap3A_317 = vector.shape_cast %swap3A_316 : vector<1x16xi32> to vector<16xi32>
    %swap3A_318 = vector.shape_cast %add3A_312 : vector<16xi32> to vector<1x16xi32>
    tpu.vector_store %arg5[%swap3A_314, %swap3A_315], %swap3A_318 {strides = array<i32>} : memref<50x128xi32, #tpu.memory_space<vmem>>, vector<1x16xi32>,
    %dma_start3A_319 = arith.constant 1 : i32
    %dma_start3A_320 = arith.constant 1 : i32
    %dma_start3A_321 = arith.constant 1 : i32
    %dma_start3A_322 = arith.constant 0 : i32
    %dma_start3A_323 = arith.constant 0 : i32
    %dma_start3A_324 = tpu.memref_slice %arg6[%dma_start3A_320, %dma_start3A_322, %dma_start3A_323] : memref<6x128x128xf32, #tpu.memory_space<vmem>> -> memref<1x128x128xf32, #tpu.memory_space<vmem>>
    %dma_start3A_325 = tpu.memref_squeeze %dma_start3A_324 : memref<1x128x128xf32, #tpu.memory_space<vmem>> -> memref<128x128xf32, #tpu.memory_space<vmem>>
    %dma_start3A_326 = arith.constant 0 : i32
    %dma_start3A_327 = tpu.memref_slice %arg5[%dma_start3A_319, %dma_start3A_326] : memref<50x128xi32, #tpu.memory_space<vmem>> -> memref<1x128xi32, #tpu.memory_space<vmem>>
    %dma_start3A_328 = tpu.memref_squeeze %dma_start3A_327 : memref<1x128xi32, #tpu.memory_space<vmem>> -> memref<128xi32, #tpu.memory_space<vmem>>
    %dma_start3A_329 = arith.constant 0 : i32
    %dma_start3A_330 = arith.constant 0 : i32
    %dma_start3A_331 = tpu.memref_slice %arg2[%dma_start3A_329, %dma_start3A_330] : memref<819200x128xf32, #tpu.memory_space<hbm>> -> memref<819200x128xf32, #tpu.memory_space<hbm>>
    %dma_start3A_332 = tpu.memref_slice %arg7[%dma_start3A_321] : memref<6x!tpu.dma_semaphore, #tpu.memory_space<semaphore_mem>> -> memref<1x!tpu.dma_semaphore, #tpu.memory_space<semaphore_mem>>
    %dma_start3A_333 = tpu.memref_squeeze %dma_start3A_332 : memref<1x!tpu.dma_semaphore, #tpu.memory_space<semaphore_mem>> -> memref<!tpu.dma_semaphore, #tpu.memory_space<semaphore_mem>>
    tpu.enqueue_indirect_dma source(%dma_start3A_331 : memref<819200x128xf32, #tpu.memory_space<hbm>>) target(%dma_start3A_325 : memref<128x128xf32, #tpu.memory_space<vmem>>) offsets(%dma_start3A_328 : memref<128xi32, #tpu.memory_space<vmem>>) semaphore(%dma_start3A_333 : memref<!tpu.dma_semaphore, #tpu.memory_space<semaphore_mem>>)
    %add3A_334 = arith.constant 0 : i32
    %add3A_335 = arith.addi %mul3A_2, %add3A_334 : i32
    %add3A_336 = vector.broadcast %add3A_335 : i32 to vector<16xi32>
    %add3A_337 = arith.addi %add3A_336, %iota3A : vector<16xi32>
    %get3A_338 = arith.constant 2 : i32
    %get3A_339 = arith.index_cast %get3A_338 : i32 to index
    %get3A_340 = arith.constant 0 : index
    %get3A_341 = tpu.vector_load %arg5[%get3A_339, %get3A_340] {strides = array<i32>} : memref<50x128xi32, #tpu.memory_space<vmem>>, vector<1x16xi32>,
    %get3A_342 = vector.shape_cast %get3A_341 : vector<1x16xi32> to vector<16xi32>
    %mul3A_343 = arith.constant 200 : i32
    %mul3A_344 = vector.broadcast %mul3A_343 : i32 to vector<16xi32>
    %mul3A_345 = arith.muli %add3A_337, %mul3A_344 : vector<16xi32>
    %add3A_346 = arith.addi %get3A_342, %mul3A_345 : vector<16xi32>
    %swap3A_347 = arith.constant 2 : i32
    %swap3A_348 = arith.index_cast %swap3A_347 : i32 to index
    %swap3A_349 = arith.constant 0 : index
    %swap3A_350 = tpu.vector_load %arg5[%swap3A_348, %swap3A_349] {strides = array<i32>} : memref<50x128xi32, #tpu.memory_space<vmem>>, vector<1x16xi32>,
    %swap3A_351 = vector.shape_cast %swap3A_350 : vector<1x16xi32> to vector<16xi32>
    %swap3A_352 = vector.shape_cast %add3A_346 : vector<16xi32> to vector<1x16xi32>
    tpu.vector_store %arg5[%swap3A_348, %swap3A_349], %swap3A_352 {strides = array<i32>} : memref<50x128xi32, #tpu.memory_space<vmem>>, vector<1x16xi32>,
    %add3A_353 = arith.constant 16 : i32
    %add3A_354 = arith.addi %mul3A_2, %add3A_353 : i32
    %add3A_355 = vector.broadcast %add3A_354 : i32 to vector<16xi32>
    %add3A_356 = arith.addi %add3A_355, %iota3A : vector<16xi32>
    %get3A_357 = arith.constant 2 : i32
    %get3A_358 = arith.index_cast %get3A_357 : i32 to index
    %get3A_359 = arith.constant 16 : index
    %get3A_360 = tpu.vector_load %arg5[%get3A_358, %get3A_359] {strides = array<i32>} : memref<50x128xi32, #tpu.memory_space<vmem>>, vector<1x16xi32>,
    %get3A_361 = vector.shape_cast %get3A_360 : vector<1x16xi32> to vector<16xi32>
    %mul3A_362 = arith.constant 200 : i32
    %mul3A_363 = vector.broadcast %mul3A_362 : i32 to vector<16xi32>
    %mul3A_364 = arith.muli %add3A_356, %mul3A_363 : vector<16xi32>
    %add3A_365 = arith.addi %get3A_361, %mul3A_364 : vector<16xi32>
    %swap3A_366 = arith.constant 2 : i32
    %swap3A_367 = arith.index_cast %swap3A_366 : i32 to index
    %swap3A_368 = arith.constant 16 : index
    %swap3A_369 = tpu.vector_load %arg5[%swap3A_367, %swap3A_368] {strides = array<i32>} : memref<50x128xi32, #tpu.memory_space<vmem>>, vector<1x16xi32>,
    %swap3A_370 = vector.shape_cast %swap3A_369 : vector<1x16xi32> to vector<16xi32>
    %swap3A_371 = vector.shape_cast %add3A_365 : vector<16xi32> to vector<1x16xi32>
    tpu.vector_store %arg5[%swap3A_367, %swap3A_368], %swap3A_371 {strides = array<i32>} : memref<50x128xi32, #tpu.memory_space<vmem>>, vector<1x16xi32>,
    %add3A_372 = arith.constant 32 : i32
    %add3A_373 = arith.addi %mul3A_2, %add3A_372 : i32
    %add3A_374 = vector.broadcast %add3A_373 : i32 to vector<16xi32>
    %add3A_375 = arith.addi %add3A_374, %iota3A : vector<16xi32>
    %get3A_376 = arith.constant 2 : i32
    %get3A_377 = arith.index_cast %get3A_376 : i32 to index
    %get3A_378 = arith.constant 32 : index
    %get3A_379 = tpu.vector_load %arg5[%get3A_377, %get3A_378] {strides = array<i32>} : memref<50x128xi32, #tpu.memory_space<vmem>>, vector<1x16xi32>,
    %get3A_380 = vector.shape_cast %get3A_379 : vector<1x16xi32> to vector<16xi32>
    %mul3A_381 = arith.constant 200 : i32
    %mul3A_382 = vector.broadcast %mul3A_381 : i32 to vector<16xi32>
    %mul3A_383 = arith.muli %add3A_375, %mul3A_382 : vector<16xi32>
    %add3A_384 = arith.addi %get3A_380, %mul3A_383 : vector<16xi32>
    %swap3A_385 = arith.constant 2 : i32
    %swap3A_386 = arith.index_cast %swap3A_385 : i32 to index
    %swap3A_387 = arith.constant 32 : index
    %swap3A_388 = tpu.vector_load %arg5[%swap3A_386, %swap3A_387] {strides = array<i32>} : memref<50x128xi32, #tpu.memory_space<vmem>>, vector<1x16xi32>,
    %swap3A_389 = vector.shape_cast %swap3A_388 : vector<1x16xi32> to vector<16xi32>
    %swap3A_390 = vector.shape_cast %add3A_384 : vector<16xi32> to vector<1x16xi32>
    tpu.vector_store %arg5[%swap3A_386, %swap3A_387], %swap3A_390 {strides = array<i32>} : memref<50x128xi32, #tpu.memory_space<vmem>>, vector<1x16xi32>,
    %add3A_391 = arith.constant 48 : i32
    %add3A_392 = arith.addi %mul3A_2, %add3A_391 : i32
    %add3A_393 = vector.broadcast %add3A_392 : i32 to vector<16xi32>
    %add3A_394 = arith.addi %add3A_393, %iota3A : vector<16xi32>
    %get3A_395 = arith.constant 2 : i32
    %get3A_396 = arith.index_cast %get3A_395 : i32 to index
    %get3A_397 = arith.constant 48 : index
    %get3A_398 = tpu.vector_load %arg5[%get3A_396, %get3A_397] {strides = array<i32>} : memref<50x128xi32, #tpu.memory_space<vmem>>, vector<1x16xi32>,
    %get3A_399 = vector.shape_cast %get3A_398 : vector<1x16xi32> to vector<16xi32>
    %mul3A_400 = arith.constant 200 : i32
    %mul3A_401 = vector.broadcast %mul3A_400 : i32 to vector<16xi32>
    %mul3A_402 = arith.muli %add3A_394, %mul3A_401 : vector<16xi32>
    %add3A_403 = arith.addi %get3A_399, %mul3A_402 : vector<16xi32>
    %swap3A_404 = arith.constant 2 : i32
    %swap3A_405 = arith.index_cast %swap3A_404 : i32 to index
    %swap3A_406 = arith.constant 48 : index
    %swap3A_407 = tpu.vector_load %arg5[%swap3A_405, %swap3A_406] {strides = array<i32>} : memref<50x128xi32, #tpu.memory_space<vmem>>, vector<1x16xi32>,
    %swap3A_408 = vector.shape_cast %swap3A_407 : vector<1x16xi32> to vector<16xi32>
    %swap3A_409 = vector.shape_cast %add3A_403 : vector<16xi32> to vector<1x16xi32>
    tpu.vector_store %arg5[%swap3A_405, %swap3A_406], %swap3A_409 {strides = array<i32>} : memref<50x128xi32, #tpu.memory_space<vmem>>, vector<1x16xi32>,
    %add3A_410 = arith.constant 64 : i32
    %add3A_411 = arith.addi %mul3A_2, %add3A_410 : i32
    %add3A_412 = vector.broadcast %add3A_411 : i32 to vector<16xi32>
    %add3A_413 = arith.addi %add3A_412, %iota3A : vector<16xi32>
    %get3A_414 = arith.constant 2 : i32
    %get3A_415 = arith.index_cast %get3A_414 : i32 to index
    %get3A_416 = arith.constant 64 : index
    %get3A_417 = tpu.vector_load %arg5[%get3A_415, %get3A_416] {strides = array<i32>} : memref<50x128xi32, #tpu.memory_space<vmem>>, vector<1x16xi32>,
    %get3A_418 = vector.shape_cast %get3A_417 : vector<1x16xi32> to vector<16xi32>
    %mul3A_419 = arith.constant 200 : i32
    %mul3A_420 = vector.broadcast %mul3A_419 : i32 to vector<16xi32>
    %mul3A_421 = arith.muli %add3A_413, %mul3A_420 : vector<16xi32>
    %add3A_422 = arith.addi %get3A_418, %mul3A_421 : vector<16xi32>
    %swap3A_423 = arith.constant 2 : i32
    %swap3A_424 = arith.index_cast %swap3A_423 : i32 to index
    %swap3A_425 = arith.constant 64 : index
    %swap3A_426 = tpu.vector_load %arg5[%swap3A_424, %swap3A_425] {strides = array<i32>} : memref<50x128xi32, #tpu.memory_space<vmem>>, vector<1x16xi32>,
    %swap3A_427 = vector.shape_cast %swap3A_426 : vector<1x16xi32> to vector<16xi32>
    %swap3A_428 = vector.shape_cast %add3A_422 : vector<16xi32> to vector<1x16xi32>
    tpu.vector_store %arg5[%swap3A_424, %swap3A_425], %swap3A_428 {strides = array<i32>} : memref<50x128xi32, #tpu.memory_space<vmem>>, vector<1x16xi32>,
    %add3A_429 = arith.constant 80 : i32
    %add3A_430 = arith.addi %mul3A_2, %add3A_429 : i32
    %add3A_431 = vector.broadcast %add3A_430 : i32 to vector<16xi32>
    %add3A_432 = arith.addi %add3A_431, %iota3A : vector<16xi32>
    %get3A_433 = arith.constant 2 : i32
    %get3A_434 = arith.index_cast %get3A_433 : i32 to index
    %get3A_435 = arith.constant 80 : index
    %get3A_436 = tpu.vector_load %arg5[%get3A_434, %get3A_435] {strides = array<i32>} : memref<50x128xi32, #tpu.memory_space<vmem>>, vector<1x16xi32>,
    %get3A_437 = vector.shape_cast %get3A_436 : vector<1x16xi32> to vector<16xi32>
    %mul3A_438 = arith.constant 200 : i32
    %mul3A_439 = vector.broadcast %mul3A_438 : i32 to vector<16xi32>
    %mul3A_440 = arith.muli %add3A_432, %mul3A_439 : vector<16xi32>
    %add3A_441 = arith.addi %get3A_437, %mul3A_440 : vector<16xi32>
    %swap3A_442 = arith.constant 2 : i32
    %swap3A_443 = arith.index_cast %swap3A_442 : i32 to index
    %swap3A_444 = arith.constant 80 : index
    %swap3A_445 = tpu.vector_load %arg5[%swap3A_443, %swap3A_444] {strides = array<i32>} : memref<50x128xi32, #tpu.memory_space<vmem>>, vector<1x16xi32>,
    %swap3A_446 = vector.shape_cast %swap3A_445 : vector<1x16xi32> to vector<16xi32>
    %swap3A_447 = vector.shape_cast %add3A_441 : vector<16xi32> to vector<1x16xi32>
    tpu.vector_store %arg5[%swap3A_443, %swap3A_444], %swap3A_447 {strides = array<i32>} : memref<50x128xi32, #tpu.memory_space<vmem>>, vector<1x16xi32>,
    %add3A_448 = arith.constant 96 : i32
    %add3A_449 = arith.addi %mul3A_2, %add3A_448 : i32
    %add3A_450 = vector.broadcast %add3A_449 : i32 to vector<16xi32>
    %add3A_451 = arith.addi %add3A_450, %iota3A : vector<16xi32>
    %get3A_452 = arith.constant 2 : i32
    %get3A_453 = arith.index_cast %get3A_452 : i32 to index
    %get3A_454 = arith.constant 96 : index
    %get3A_455 = tpu.vector_load %arg5[%get3A_453, %get3A_454] {strides = array<i32>} : memref<50x128xi32, #tpu.memory_space<vmem>>, vector<1x16xi32>,
    %get3A_456 = vector.shape_cast %get3A_455 : vector<1x16xi32> to vector<16xi32>
    %mul3A_457 = arith.constant 200 : i32
    %mul3A_458 = vector.broadcast %mul3A_457 : i32 to vector<16xi32>
    %mul3A_459 = arith.muli %add3A_451, %mul3A_458 : vector<16xi32>
    %add3A_460 = arith.addi %get3A_456, %mul3A_459 : vector<16xi32>
    %swap3A_461 = arith.constant 2 : i32
    %swap3A_462 = arith.index_cast %swap3A_461 : i32 to index
    %swap3A_463 = arith.constant 96 : index
    %swap3A_464 = tpu.vector_load %arg5[%swap3A_462, %swap3A_463] {strides = array<i32>} : memref<50x128xi32, #tpu.memory_space<vmem>>, vector<1x16xi32>,
    %swap3A_465 = vector.shape_cast %swap3A_464 : vector<1x16xi32> to vector<16xi32>
    %swap3A_466 = vector.shape_cast %add3A_460 : vector<16xi32> to vector<1x16xi32>
    tpu.vector_store %arg5[%swap3A_462, %swap3A_463], %swap3A_466 {strides = array<i32>} : memref<50x128xi32, #tpu.memory_space<vmem>>, vector<1x16xi32>,
    %add3A_467 = arith.constant 112 : i32
    %add3A_468 = arith.addi %mul3A_2, %add3A_467 : i32
    %add3A_469 = vector.broadcast %add3A_468 : i32 to vector<16xi32>
    %add3A_470 = arith.addi %add3A_469, %iota3A : vector<16xi32>
    %get3A_471 = arith.constant 2 : i32
    %get3A_472 = arith.index_cast %get3A_471 : i32 to index
    %get3A_473 = arith.constant 112 : index
    %get3A_474 = tpu.vector_load %arg5[%get3A_472, %get3A_473] {strides = array<i32>} : memref<50x128xi32, #tpu.memory_space<vmem>>, vector<1x16xi32>,
    %get3A_475 = vector.shape_cast %get3A_474 : vector<1x16xi32> to vector<16xi32>
    %mul3A_476 = arith.constant 200 : i32
    %mul3A_477 = vector.broadcast %mul3A_476 : i32 to vector<16xi32>
    %mul3A_478 = arith.muli %add3A_470, %mul3A_477 : vector<16xi32>
    %add3A_479 = arith.addi %get3A_475, %mul3A_478 : vector<16xi32>
    %swap3A_480 = arith.constant 2 : i32
    %swap3A_481 = arith.index_cast %swap3A_480 : i32 to index
    %swap3A_482 = arith.constant 112 : index
    %swap3A_483 = tpu.vector_load %arg5[%swap3A_481, %swap3A_482] {strides = array<i32>} : memref<50x128xi32, #tpu.memory_space<vmem>>, vector<1x16xi32>,
    %swap3A_484 = vector.shape_cast %swap3A_483 : vector<1x16xi32> to vector<16xi32>
    %swap3A_485 = vector.shape_cast %add3A_479 : vector<16xi32> to vector<1x16xi32>
    tpu.vector_store %arg5[%swap3A_481, %swap3A_482], %swap3A_485 {strides = array<i32>} : memref<50x128xi32, #tpu.memory_space<vmem>>, vector<1x16xi32>,
    %dma_start3A_486 = arith.constant 2 : i32
    %dma_start3A_487 = arith.constant 2 : i32
    %dma_start3A_488 = arith.constant 2 : i32
    %dma_start3A_489 = arith.constant 0 : i32
    %dma_start3A_490 = arith.constant 0 : i32
    %dma_start3A_491 = tpu.memref_slice %arg6[%dma_start3A_487, %dma_start3A_489, %dma_start3A_490] : memref<6x128x128xf32, #tpu.memory_space<vmem>> -> memref<1x128x128xf32, #tpu.memory_space<vmem>>
    %dma_start3A_492 = tpu.memref_squeeze %dma_start3A_491 : memref<1x128x128xf32, #tpu.memory_space<vmem>> -> memref<128x128xf32, #tpu.memory_space<vmem>>
    %dma_start3A_493 = arith.constant 0 : i32
    %dma_start3A_494 = tpu.memref_slice %arg5[%dma_start3A_486, %dma_start3A_493] : memref<50x128xi32, #tpu.memory_space<vmem>> -> memref<1x128xi32, #tpu.memory_space<vmem>>
    %dma_start3A_495 = tpu.memref_squeeze %dma_start3A_494 : memref<1x128xi32, #tpu.memory_space<vmem>> -> memref<128xi32, #tpu.memory_space<vmem>>
    %dma_start3A_496 = arith.constant 0 : i32
    %dma_start3A_497 = arith.constant 0 : i32
    %dma_start3A_498 = tpu.memref_slice %arg2[%dma_start3A_496, %dma_start3A_497] : memref<819200x128xf32, #tpu.memory_space<hbm>> -> memref<819200x128xf32, #tpu.memory_space<hbm>>
    %dma_start3A_499 = tpu.memref_slice %arg7[%dma_start3A_488] : memref<6x!tpu.dma_semaphore, #tpu.memory_space<semaphore_mem>> -> memref<1x!tpu.dma_semaphore, #tpu.memory_space<semaphore_mem>>
    %dma_start3A_500 = tpu.memref_squeeze %dma_start3A_499 : memref<1x!tpu.dma_semaphore, #tpu.memory_space<semaphore_mem>> -> memref<!tpu.dma_semaphore, #tpu.memory_space<semaphore_mem>>
    tpu.enqueue_indirect_dma source(%dma_start3A_498 : memref<819200x128xf32, #tpu.memory_space<hbm>>) target(%dma_start3A_492 : memref<128x128xf32, #tpu.memory_space<vmem>>) offsets(%dma_start3A_495 : memref<128xi32, #tpu.memory_space<vmem>>) semaphore(%dma_start3A_500 : memref<!tpu.dma_semaphore, #tpu.memory_space<semaphore_mem>>)
    %add3A_501 = arith.constant 0 : i32
    %add3A_502 = arith.addi %mul3A_2, %add3A_501 : i32
    %add3A_503 = vector.broadcast %add3A_502 : i32 to vector<16xi32>
    %add3A_504 = arith.addi %add3A_503, %iota3A : vector<16xi32>
    %get3A_505 = arith.constant 3 : i32
    %get3A_506 = arith.index_cast %get3A_505 : i32 to index
    %get3A_507 = arith.constant 0 : index
    %get3A_508 = tpu.vector_load %arg5[%get3A_506, %get3A_507] {strides = array<i32>} : memref<50x128xi32, #tpu.memory_space<vmem>>, vector<1x16xi32>,
    %get3A_509 = vector.shape_cast %get3A_508 : vector<1x16xi32> to vector<16xi32>
    %mul3A_510 = arith.constant 200 : i32
    %mul3A_511 = vector.broadcast %mul3A_510 : i32 to vector<16xi32>
    %mul3A_512 = arith.muli %add3A_504, %mul3A_511 : vector<16xi32>
    %add3A_513 = arith.addi %get3A_509, %mul3A_512 : vector<16xi32>
    %swap3A_514 = arith.constant 3 : i32
    %swap3A_515 = arith.index_cast %swap3A_514 : i32 to index
    %swap3A_516 = arith.constant 0 : index
    %swap3A_517 = tpu.vector_load %arg5[%swap3A_515, %swap3A_516] {strides = array<i32>} : memref<50x128xi32, #tpu.memory_space<vmem>>, vector<1x16xi32>,
    %swap3A_518 = vector.shape_cast %swap3A_517 : vector<1x16xi32> to vector<16xi32>
    %swap3A_519 = vector.shape_cast %add3A_513 : vector<16xi32> to vector<1x16xi32>
    tpu.vector_store %arg5[%swap3A_515, %swap3A_516], %swap3A_519 {strides = array<i32>} : memref<50x128xi32, #tpu.memory_space<vmem>>, vector<1x16xi32>,
    %add3A_520 = arith.constant 16 : i32
    %add3A_521 = arith.addi %mul3A_2, %add3A_520 : i32
    %add3A_522 = vector.broadcast %add3A_521 : i32 to vector<16xi32>
    %add3A_523 = arith.addi %add3A_522, %iota3A : vector<16xi32>
    %get3A_524 = arith.constant 3 : i32
    %get3A_525 = arith.index_cast %get3A_524 : i32 to index
    %get3A_526 = arith.constant 16 : index
    %get3A_527 = tpu.vector_load %arg5[%get3A_525, %get3A_526] {strides = array<i32>} : memref<50x128xi32, #tpu.memory_space<vmem>>, vector<1x16xi32>,
    %get3A_528 = vector.shape_cast %get3A_527 : vector<1x16xi32> to vector<16xi32>
    %mul3A_529 = arith.constant 200 : i32
    %mul3A_530 = vector.broadcast %mul3A_529 : i32 to vector<16xi32>
    %mul3A_531 = arith.muli %add3A_523, %mul3A_530 : vector<16xi32>
    %add3A_532 = arith.addi %get3A_528, %mul3A_531 : vector<16xi32>
    %swap3A_533 = arith.constant 3 : i32
    %swap3A_534 = arith.index_cast %swap3A_533 : i32 to index
    %swap3A_535 = arith.constant 16 : index
    %swap3A_536 = tpu.vector_load %arg5[%swap3A_534, %swap3A_535] {strides = array<i32>} : memref<50x128xi32, #tpu.memory_space<vmem>>, vector<1x16xi32>,
    %swap3A_537 = vector.shape_cast %swap3A_536 : vector<1x16xi32> to vector<16xi32>
    %swap3A_538 = vector.shape_cast %add3A_532 : vector<16xi32> to vector<1x16xi32>
    tpu.vector_store %arg5[%swap3A_534, %swap3A_535], %swap3A_538 {strides = array<i32>} : memref<50x128xi32, #tpu.memory_space<vmem>>, vector<1x16xi32>,
    %add3A_539 = arith.constant 32 : i32
    %add3A_540 = arith.addi %mul3A_2, %add3A_539 : i32
    %add3A_541 = vector.broadcast %add3A_540 : i32 to vector<16xi32>
    %add3A_542 = arith.addi %add3A_541, %iota3A : vector<16xi32>
    %get3A_543 = arith.constant 3 : i32
    %get3A_544 = arith.index_cast %get3A_543 : i32 to index
    %get3A_545 = arith.constant 32 : index
    %get3A_546 = tpu.vector_load %arg5[%get3A_544, %get3A_545] {strides = array<i32>} : memref<50x128xi32, #tpu.memory_space<vmem>>, vector<1x16xi32>,
    %get3A_547 = vector.shape_cast %get3A_546 : vector<1x16xi32> to vector<16xi32>
    %mul3A_548 = arith.constant 200 : i32
    %mul3A_549 = vector.broadcast %mul3A_548 : i32 to vector<16xi32>
    %mul3A_550 = arith.muli %add3A_542, %mul3A_549 : vector<16xi32>
    %add3A_551 = arith.addi %get3A_547, %mul3A_550 : vector<16xi32>
    %swap3A_552 = arith.constant 3 : i32
    %swap3A_553 = arith.index_cast %swap3A_552 : i32 to index
    %swap3A_554 = arith.constant 32 : index
    %swap3A_555 = tpu.vector_load %arg5[%swap3A_553, %swap3A_554] {strides = array<i32>} : memref<50x128xi32, #tpu.memory_space<vmem>>, vector<1x16xi32>,
    %swap3A_556 = vector.shape_cast %swap3A_555 : vector<1x16xi32> to vector<16xi32>
    %swap3A_557 = vector.shape_cast %add3A_551 : vector<16xi32> to vector<1x16xi32>
    tpu.vector_store %arg5[%swap3A_553, %swap3A_554], %swap3A_557 {strides = array<i32>} : memref<50x128xi32, #tpu.memory_space<vmem>>, vector<1x16xi32>,
    %add3A_558 = arith.constant 48 : i32
    %add3A_559 = arith.addi %mul3A_2, %add3A_558 : i32
    %add3A_560 = vector.broadcast %add3A_559 : i32 to vector<16xi32>
    %add3A_561 = arith.addi %add3A_560, %iota3A : vector<16xi32>
    %get3A_562 = arith.constant 3 : i32
    %get3A_563 = arith.index_cast %get3A_562 : i32 to index
    %get3A_564 = arith.constant 48 : index
    %get3A_565 = tpu.vector_load %arg5[%get3A_563, %get3A_564] {strides = array<i32>} : memref<50x128xi32, #tpu.memory_space<vmem>>, vector<1x16xi32>,
    %get3A_566 = vector.shape_cast %get3A_565 : vector<1x16xi32> to vector<16xi32>
    %mul3A_567 = arith.constant 200 : i32
    %mul3A_568 = vector.broadcast %mul3A_567 : i32 to vector<16xi32>
    %mul3A_569 = arith.muli %add3A_561, %mul3A_568 : vector<16xi32>
    %add3A_570 = arith.addi %get3A_566, %mul3A_569 : vector<16xi32>
    %swap3A_571 = arith.constant 3 : i32
    %swap3A_572 = arith.index_cast %swap3A_571 : i32 to index
    %swap3A_573 = arith.constant 48 : index
    %swap3A_574 = tpu.vector_load %arg5[%swap3A_572, %swap3A_573] {strides = array<i32>} : memref<50x128xi32, #tpu.memory_space<vmem>>, vector<1x16xi32>,
    %swap3A_575 = vector.shape_cast %swap3A_574 : vector<1x16xi32> to vector<16xi32>
    %swap3A_576 = vector.shape_cast %add3A_570 : vector<16xi32> to vector<1x16xi32>
    tpu.vector_store %arg5[%swap3A_572, %swap3A_573], %swap3A_576 {strides = array<i32>} : memref<50x128xi32, #tpu.memory_space<vmem>>, vector<1x16xi32>,
    %add3A_577 = arith.constant 64 : i32
    %add3A_578 = arith.addi %mul3A_2, %add3A_577 : i32
    %add3A_579 = vector.broadcast %add3A_578 : i32 to vector<16xi32>
    %add3A_580 = arith.addi %add3A_579, %iota3A : vector<16xi32>
    %get3A_581 = arith.constant 3 : i32
    %get3A_582 = arith.index_cast %get3A_581 : i32 to index
    %get3A_583 = arith.constant 64 : index
    %get3A_584 = tpu.vector_load %arg5[%get3A_582, %get3A_583] {strides = array<i32>} : memref<50x128xi32, #tpu.memory_space<vmem>>, vector<1x16xi32>,
    %get3A_585 = vector.shape_cast %get3A_584 : vector<1x16xi32> to vector<16xi32>
    %mul3A_586 = arith.constant 200 : i32
    %mul3A_587 = vector.broadcast %mul3A_586 : i32 to vector<16xi32>
    %mul3A_588 = arith.muli %add3A_580, %mul3A_587 : vector<16xi32>
    %add3A_589 = arith.addi %get3A_585, %mul3A_588 : vector<16xi32>
    %swap3A_590 = arith.constant 3 : i32
    %swap3A_591 = arith.index_cast %swap3A_590 : i32 to index
    %swap3A_592 = arith.constant 64 : index
    %swap3A_593 = tpu.vector_load %arg5[%swap3A_591, %swap3A_592] {strides = array<i32>} : memref<50x128xi32, #tpu.memory_space<vmem>>, vector<1x16xi32>,
    %swap3A_594 = vector.shape_cast %swap3A_593 : vector<1x16xi32> to vector<16xi32>
    %swap3A_595 = vector.shape_cast %add3A_589 : vector<16xi32> to vector<1x16xi32>
    tpu.vector_store %arg5[%swap3A_591, %swap3A_592], %swap3A_595 {strides = array<i32>} : memref<50x128xi32, #tpu.memory_space<vmem>>, vector<1x16xi32>,
    %add3A_596 = arith.constant 80 : i32
    %add3A_597 = arith.addi %mul3A_2, %add3A_596 : i32
    %add3A_598 = vector.broadcast %add3A_597 : i32 to vector<16xi32>
    %add3A_599 = arith.addi %add3A_598, %iota3A : vector<16xi32>
    %get3A_600 = arith.constant 3 : i32
    %get3A_601 = arith.index_cast %get3A_600 : i32 to index
    %get3A_602 = arith.constant 80 : index
    %get3A_603 = tpu.vector_load %arg5[%get3A_601, %get3A_602] {strides = array<i32>} : memref<50x128xi32, #tpu.memory_space<vmem>>, vector<1x16xi32>,
    %get3A_604 = vector.shape_cast %get3A_603 : vector<1x16xi32> to vector<16xi32>
    %mul3A_605 = arith.constant 200 : i32
    %mul3A_606 = vector.broadcast %mul3A_605 : i32 to vector<16xi32>
    %mul3A_607 = arith.muli %add3A_599, %mul3A_606 : vector<16xi32>
    %add3A_608 = arith.addi %get3A_604, %mul3A_607 : vector<16xi32>
    %swap3A_609 = arith.constant 3 : i32
    %swap3A_610 = arith.index_cast %swap3A_609 : i32 to index
    %swap3A_611 = arith.constant 80 : index
    %swap3A_612 = tpu.vector_load %arg5[%swap3A_610, %swap3A_611] {strides = array<i32>} : memref<50x128xi32, #tpu.memory_space<vmem>>, vector<1x16xi32>,
    %swap3A_613 = vector.shape_cast %swap3A_612 : vector<1x16xi32> to vector<16xi32>
    %swap3A_614 = vector.shape_cast %add3A_608 : vector<16xi32> to vector<1x16xi32>
    tpu.vector_store %arg5[%swap3A_610, %swap3A_611], %swap3A_614 {strides = array<i32>} : memref<50x128xi32, #tpu.memory_space<vmem>>, vector<1x16xi32>,
    %add3A_615 = arith.constant 96 : i32
    %add3A_616 = arith.addi %mul3A_2, %add3A_615 : i32
    %add3A_617 = vector.broadcast %add3A_616 : i32 to vector<16xi32>
    %add3A_618 = arith.addi %add3A_617, %iota3A : vector<16xi32>
    %get3A_619 = arith.constant 3 : i32
    %get3A_620 = arith.index_cast %get3A_619 : i32 to index
    %get3A_621 = arith.constant 96 : index
    %get3A_622 = tpu.vector_load %arg5[%get3A_620, %get3A_621] {strides = array<i32>} : memref<50x128xi32, #tpu.memory_space<vmem>>, vector<1x16xi32>,
    %get3A_623 = vector.shape_cast %get3A_622 : vector<1x16xi32> to vector<16xi32>
    %mul3A_624 = arith.constant 200 : i32
    %mul3A_625 = vector.broadcast %mul3A_624 : i32 to vector<16xi32>
    %mul3A_626 = arith.muli %add3A_618, %mul3A_625 : vector<16xi32>
    %add3A_627 = arith.addi %get3A_623, %mul3A_626 : vector<16xi32>
    %swap3A_628 = arith.constant 3 : i32
    %swap3A_629 = arith.index_cast %swap3A_628 : i32 to index
    %swap3A_630 = arith.constant 96 : index
    %swap3A_631 = tpu.vector_load %arg5[%swap3A_629, %swap3A_630] {strides = array<i32>} : memref<50x128xi32, #tpu.memory_space<vmem>>, vector<1x16xi32>,
    %swap3A_632 = vector.shape_cast %swap3A_631 : vector<1x16xi32> to vector<16xi32>
    %swap3A_633 = vector.shape_cast %add3A_627 : vector<16xi32> to vector<1x16xi32>
    tpu.vector_store %arg5[%swap3A_629, %swap3A_630], %swap3A_633 {strides = array<i32>} : memref<50x128xi32, #tpu.memory_space<vmem>>, vector<1x16xi32>,
    %add3A_634 = arith.constant 112 : i32
    %add3A_635 = arith.addi %mul3A_2, %add3A_634 : i32
    %add3A_636 = vector.broadcast %add3A_635 : i32 to vector<16xi32>
    %add3A_637 = arith.addi %add3A_636, %iota3A : vector<16xi32>
    %get3A_638 = arith.constant 3 : i32
    %get3A_639 = arith.index_cast %get3A_638 : i32 to index
    %get3A_640 = arith.constant 112 : index
    %get3A_641 = tpu.vector_load %arg5[%get3A_639, %get3A_640] {strides = array<i32>} : memref<50x128xi32, #tpu.memory_space<vmem>>, vector<1x16xi32>,
    %get3A_642 = vector.shape_cast %get3A_641 : vector<1x16xi32> to vector<16xi32>
    %mul3A_643 = arith.constant 200 : i32
    %mul3A_644 = vector.broadcast %mul3A_643 : i32 to vector<16xi32>
    %mul3A_645 = arith.muli %add3A_637, %mul3A_644 : vector<16xi32>
    %add3A_646 = arith.addi %get3A_642, %mul3A_645 : vector<16xi32>
    %swap3A_647 = arith.constant 3 : i32
    %swap3A_648 = arith.index_cast %swap3A_647 : i32 to index
    %swap3A_649 = arith.constant 112 : index
    %swap3A_650 = tpu.vector_load %arg5[%swap3A_648, %swap3A_649] {strides = array<i32>} : memref<50x128xi32, #tpu.memory_space<vmem>>, vector<1x16xi32>,
    %swap3A_651 = vector.shape_cast %swap3A_650 : vector<1x16xi32> to vector<16xi32>
    %swap3A_652 = vector.shape_cast %add3A_646 : vector<16xi32> to vector<1x16xi32>
    tpu.vector_store %arg5[%swap3A_648, %swap3A_649], %swap3A_652 {strides = array<i32>} : memref<50x128xi32, #tpu.memory_space<vmem>>, vector<1x16xi32>,
    %dma_start3A_653 = arith.constant 3 : i32
    %dma_start3A_654 = arith.constant 3 : i32
    %dma_start3A_655 = arith.constant 3 : i32
    %dma_start3A_656 = arith.constant 0 : i32
    %dma_start3A_657 = arith.constant 0 : i32
    %dma_start3A_658 = tpu.memref_slice %arg6[%dma_start3A_654, %dma_start3A_656, %dma_start3A_657] : memref<6x128x128xf32, #tpu.memory_space<vmem>> -> memref<1x128x128xf32, #tpu.memory_space<vmem>>
    %dma_start3A_659 = tpu.memref_squeeze %dma_start3A_658 : memref<1x128x128xf32, #tpu.memory_space<vmem>> -> memref<128x128xf32, #tpu.memory_space<vmem>>
    %dma_start3A_660 = arith.constant 0 : i32
    %dma_start3A_661 = tpu.memref_slice %arg5[%dma_start3A_653, %dma_start3A_660] : memref<50x128xi32, #tpu.memory_space<vmem>> -> memref<1x128xi32, #tpu.memory_space<vmem>>
    %dma_start3A_662 = tpu.memref_squeeze %dma_start3A_661 : memref<1x128xi32, #tpu.memory_space<vmem>> -> memref<128xi32, #tpu.memory_space<vmem>>
    %dma_start3A_663 = arith.constant 0 : i32
    %dma_start3A_664 = arith.constant 0 : i32
    %dma_start3A_665 = tpu.memref_slice %arg2[%dma_start3A_663, %dma_start3A_664] : memref<819200x128xf32, #tpu.memory_space<hbm>> -> memref<819200x128xf32, #tpu.memory_space<hbm>>
    %dma_start3A_666 = tpu.memref_slice %arg7[%dma_start3A_655] : memref<6x!tpu.dma_semaphore, #tpu.memory_space<semaphore_mem>> -> memref<1x!tpu.dma_semaphore, #tpu.memory_space<semaphore_mem>>
    %dma_start3A_667 = tpu.memref_squeeze %dma_start3A_666 : memref<1x!tpu.dma_semaphore, #tpu.memory_space<semaphore_mem>> -> memref<!tpu.dma_semaphore, #tpu.memory_space<semaphore_mem>>
    tpu.enqueue_indirect_dma source(%dma_start3A_665 : memref<819200x128xf32, #tpu.memory_space<hbm>>) target(%dma_start3A_659 : memref<128x128xf32, #tpu.memory_space<vmem>>) offsets(%dma_start3A_662 : memref<128xi32, #tpu.memory_space<vmem>>) semaphore(%dma_start3A_667 : memref<!tpu.dma_semaphore, #tpu.memory_space<semaphore_mem>>)
    %add3A_668 = arith.constant 0 : i32
    %add3A_669 = arith.addi %mul3A_2, %add3A_668 : i32
    %add3A_670 = vector.broadcast %add3A_669 : i32 to vector<16xi32>
    %add3A_671 = arith.addi %add3A_670, %iota3A : vector<16xi32>
    %get3A_672 = arith.constant 4 : i32
    %get3A_673 = arith.index_cast %get3A_672 : i32 to index
    %get3A_674 = arith.constant 0 : index
    %get3A_675 = tpu.vector_load %arg5[%get3A_673, %get3A_674] {strides = array<i32>} : memref<50x128xi32, #tpu.memory_space<vmem>>, vector<1x16xi32>,
    %get3A_676 = vector.shape_cast %get3A_675 : vector<1x16xi32> to vector<16xi32>
    %mul3A_677 = arith.constant 200 : i32
    %mul3A_678 = vector.broadcast %mul3A_677 : i32 to vector<16xi32>
    %mul3A_679 = arith.muli %add3A_671, %mul3A_678 : vector<16xi32>
    %add3A_680 = arith.addi %get3A_676, %mul3A_679 : vector<16xi32>
    %swap3A_681 = arith.constant 4 : i32
    %swap3A_682 = arith.index_cast %swap3A_681 : i32 to index
    %swap3A_683 = arith.constant 0 : index
    %swap3A_684 = tpu.vector_load %arg5[%swap3A_682, %swap3A_683] {strides = array<i32>} : memref<50x128xi32, #tpu.memory_space<vmem>>, vector<1x16xi32>,
    %swap3A_685 = vector.shape_cast %swap3A_684 : vector<1x16xi32> to vector<16xi32>
    %swap3A_686 = vector.shape_cast %add3A_680 : vector<16xi32> to vector<1x16xi32>
    tpu.vector_store %arg5[%swap3A_682, %swap3A_683], %swap3A_686 {strides = array<i32>} : memref<50x128xi32, #tpu.memory_space<vmem>>, vector<1x16xi32>,
    %add3A_687 = arith.constant 16 : i32
    %add3A_688 = arith.addi %mul3A_2, %add3A_687 : i32
    %add3A_689 = vector.broadcast %add3A_688 : i32 to vector<16xi32>
    %add3A_690 = arith.addi %add3A_689, %iota3A : vector<16xi32>
    %get3A_691 = arith.constant 4 : i32
    %get3A_692 = arith.index_cast %get3A_691 : i32 to index
    %get3A_693 = arith.constant 16 : index
    %get3A_694 = tpu.vector_load %arg5[%get3A_692, %get3A_693] {strides = array<i32>} : memref<50x128xi32, #tpu.memory_space<vmem>>, vector<1x16xi32>,
    %get3A_695 = vector.shape_cast %get3A_694 : vector<1x16xi32> to vector<16xi32>
    %mul3A_696 = arith.constant 200 : i32
    %mul3A_697 = vector.broadcast %mul3A_696 : i32 to vector<16xi32>
    %mul3A_698 = arith.muli %add3A_690, %mul3A_697 : vector<16xi32>
    %add3A_699 = arith.addi %get3A_695, %mul3A_698 : vector<16xi32>
    %swap3A_700 = arith.constant 4 : i32
    %swap3A_701 = arith.index_cast %swap3A_700 : i32 to index
    %swap3A_702 = arith.constant 16 : index
    %swap3A_703 = tpu.vector_load %arg5[%swap3A_701, %swap3A_702] {strides = array<i32>} : memref<50x128xi32, #tpu.memory_space<vmem>>, vector<1x16xi32>,
    %swap3A_704 = vector.shape_cast %swap3A_703 : vector<1x16xi32> to vector<16xi32>
    %swap3A_705 = vector.shape_cast %add3A_699 : vector<16xi32> to vector<1x16xi32>
    tpu.vector_store %arg5[%swap3A_701, %swap3A_702], %swap3A_705 {strides = array<i32>} : memref<50x128xi32, #tpu.memory_space<vmem>>, vector<1x16xi32>,
    %add3A_706 = arith.constant 32 : i32
    %add3A_707 = arith.addi %mul3A_2, %add3A_706 : i32
    %add3A_708 = vector.broadcast %add3A_707 : i32 to vector<16xi32>
    %add3A_709 = arith.addi %add3A_708, %iota3A : vector<16xi32>
    %get3A_710 = arith.constant 4 : i32
    %get3A_711 = arith.index_cast %get3A_710 : i32 to index
    %get3A_712 = arith.constant 32 : index
    %get3A_713 = tpu.vector_load %arg5[%get3A_711, %get3A_712] {strides = array<i32>} : memref<50x128xi32, #tpu.memory_space<vmem>>, vector<1x16xi32>,
    %get3A_714 = vector.shape_cast %get3A_713 : vector<1x16xi32> to vector<16xi32>
    %mul3A_715 = arith.constant 200 : i32
    %mul3A_716 = vector.broadcast %mul3A_715 : i32 to vector<16xi32>
    %mul3A_717 = arith.muli %add3A_709, %mul3A_716 : vector<16xi32>
    %add3A_718 = arith.addi %get3A_714, %mul3A_717 : vector<16xi32>
    %swap3A_719 = arith.constant 4 : i32
    %swap3A_720 = arith.index_cast %swap3A_719 : i32 to index
    %swap3A_721 = arith.constant 32 : index
    %swap3A_722 = tpu.vector_load %arg5[%swap3A_720, %swap3A_721] {strides = array<i32>} : memref<50x128xi32, #tpu.memory_space<vmem>>, vector<1x16xi32>,
    %swap3A_723 = vector.shape_cast %swap3A_722 : vector<1x16xi32> to vector<16xi32>
    %swap3A_724 = vector.shape_cast %add3A_718 : vector<16xi32> to vector<1x16xi32>
    tpu.vector_store %arg5[%swap3A_720, %swap3A_721], %swap3A_724 {strides = array<i32>} : memref<50x128xi32, #tpu.memory_space<vmem>>, vector<1x16xi32>,
    %add3A_725 = arith.constant 48 : i32
    %add3A_726 = arith.addi %mul3A_2, %add3A_725 : i32
    %add3A_727 = vector.broadcast %add3A_726 : i32 to vector<16xi32>
    %add3A_728 = arith.addi %add3A_727, %iota3A : vector<16xi32>
    %get3A_729 = arith.constant 4 : i32
    %get3A_730 = arith.index_cast %get3A_729 : i32 to index
    %get3A_731 = arith.constant 48 : index
    %get3A_732 = tpu.vector_load %arg5[%get3A_730, %get3A_731] {strides = array<i32>} : memref<50x128xi32, #tpu.memory_space<vmem>>, vector<1x16xi32>,
    %get3A_733 = vector.shape_cast %get3A_732 : vector<1x16xi32> to vector<16xi32>
    %mul3A_734 = arith.constant 200 : i32
    %mul3A_735 = vector.broadcast %mul3A_734 : i32 to vector<16xi32>
    %mul3A_736 = arith.muli %add3A_728, %mul3A_735 : vector<16xi32>
    %add3A_737 = arith.addi %get3A_733, %mul3A_736 : vector<16xi32>
    %swap3A_738 = arith.constant 4 : i32
    %swap3A_739 = arith.index_cast %swap3A_738 : i32 to index
    %swap3A_740 = arith.constant 48 : index
    %swap3A_741 = tpu.vector_load %arg5[%swap3A_739, %swap3A_740] {strides = array<i32>} : memref<50x128xi32, #tpu.memory_space<vmem>>, vector<1x16xi32>,
    %swap3A_742 = vector.shape_cast %swap3A_741 : vector<1x16xi32> to vector<16xi32>
    %swap3A_743 = vector.shape_cast %add3A_737 : vector<16xi32> to vector<1x16xi32>
    tpu.vector_store %arg5[%swap3A_739, %swap3A_740], %swap3A_743 {strides = array<i32>} : memref<50x128xi32, #tpu.memory_space<vmem>>, vector<1x16xi32>,
    %add3A_744 = arith.constant 64 : i32
    %add3A_745 = arith.addi %mul3A_2, %add3A_744 : i32
    %add3A_746 = vector.broadcast %add3A_745 : i32 to vector<16xi32>
    %add3A_747 = arith.addi %add3A_746, %iota3A : vector<16xi32>
    %get3A_748 = arith.constant 4 : i32
    %get3A_749 = arith.index_cast %get3A_748 : i32 to index
    %get3A_750 = arith.constant 64 : index
    %get3A_751 = tpu.vector_load %arg5[%get3A_749, %get3A_750] {strides = array<i32>} : memref<50x128xi32, #tpu.memory_space<vmem>>, vector<1x16xi32>,
    %get3A_752 = vector.shape_cast %get3A_751 : vector<1x16xi32> to vector<16xi32>
    %mul3A_753 = arith.constant 200 : i32
    %mul3A_754 = vector.broadcast %mul3A_753 : i32 to vector<16xi32>
    %mul3A_755 = arith.muli %add3A_747, %mul3A_754 : vector<16xi32>
    %add3A_756 = arith.addi %get3A_752, %mul3A_755 : vector<16xi32>
    %swap3A_757 = arith.constant 4 : i32
    %swap3A_758 = arith.index_cast %swap3A_757 : i32 to index
    %swap3A_759 = arith.constant 64 : index
    %swap3A_760 = tpu.vector_load %arg5[%swap3A_758, %swap3A_759] {strides = array<i32>} : memref<50x128xi32, #tpu.memory_space<vmem>>, vector<1x16xi32>,
    %swap3A_761 = vector.shape_cast %swap3A_760 : vector<1x16xi32> to vector<16xi32>
    %swap3A_762 = vector.shape_cast %add3A_756 : vector<16xi32> to vector<1x16xi32>
    tpu.vector_store %arg5[%swap3A_758, %swap3A_759], %swap3A_762 {strides = array<i32>} : memref<50x128xi32, #tpu.memory_space<vmem>>, vector<1x16xi32>,
    %add3A_763 = arith.constant 80 : i32
    %add3A_764 = arith.addi %mul3A_2, %add3A_763 : i32
    %add3A_765 = vector.broadcast %add3A_764 : i32 to vector<16xi32>
    %add3A_766 = arith.addi %add3A_765, %iota3A : vector<16xi32>
    %get3A_767 = arith.constant 4 : i32
    %get3A_768 = arith.index_cast %get3A_767 : i32 to index
    %get3A_769 = arith.constant 80 : index
    %get3A_770 = tpu.vector_load %arg5[%get3A_768, %get3A_769] {strides = array<i32>} : memref<50x128xi32, #tpu.memory_space<vmem>>, vector<1x16xi32>,
    %get3A_771 = vector.shape_cast %get3A_770 : vector<1x16xi32> to vector<16xi32>
    %mul3A_772 = arith.constant 200 : i32
    %mul3A_773 = vector.broadcast %mul3A_772 : i32 to vector<16xi32>
    %mul3A_774 = arith.muli %add3A_766, %mul3A_773 : vector<16xi32>
    %add3A_775 = arith.addi %get3A_771, %mul3A_774 : vector<16xi32>
    %swap3A_776 = arith.constant 4 : i32
    %swap3A_777 = arith.index_cast %swap3A_776 : i32 to index
    %swap3A_778 = arith.constant 80 : index
    %swap3A_779 = tpu.vector_load %arg5[%swap3A_777, %swap3A_778] {strides = array<i32>} : memref<50x128xi32, #tpu.memory_space<vmem>>, vector<1x16xi32>,
    %swap3A_780 = vector.shape_cast %swap3A_779 : vector<1x16xi32> to vector<16xi32>
    %swap3A_781 = vector.shape_cast %add3A_775 : vector<16xi32> to vector<1x16xi32>
    tpu.vector_store %arg5[%swap3A_777, %swap3A_778], %swap3A_781 {strides = array<i32>} : memref<50x128xi32, #tpu.memory_space<vmem>>, vector<1x16xi32>,
    %add3A_782 = arith.constant 96 : i32
    %add3A_783 = arith.addi %mul3A_2, %add3A_782 : i32
    %add3A_784 = vector.broadcast %add3A_783 : i32 to vector<16xi32>
    %add3A_785 = arith.addi %add3A_784, %iota3A : vector<16xi32>
    %get3A_786 = arith.constant 4 : i32
    %get3A_787 = arith.index_cast %get3A_786 : i32 to index
    %get3A_788 = arith.constant 96 : index
    %get3A_789 = tpu.vector_load %arg5[%get3A_787, %get3A_788] {strides = array<i32>} : memref<50x128xi32, #tpu.memory_space<vmem>>, vector<1x16xi32>,
    %get3A_790 = vector.shape_cast %get3A_789 : vector<1x16xi32> to vector<16xi32>
    %mul3A_791 = arith.constant 200 : i32
    %mul3A_792 = vector.broadcast %mul3A_791 : i32 to vector<16xi32>
    %mul3A_793 = arith.muli %add3A_785, %mul3A_792 : vector<16xi32>
    %add3A_794 = arith.addi %get3A_790, %mul3A_793 : vector<16xi32>
    %swap3A_795 = arith.constant 4 : i32
    %swap3A_796 = arith.index_cast %swap3A_795 : i32 to index
    %swap3A_797 = arith.constant 96 : index
    %swap3A_798 = tpu.vector_load %arg5[%swap3A_796, %swap3A_797] {strides = array<i32>} : memref<50x128xi32, #tpu.memory_space<vmem>>, vector<1x16xi32>,
    %swap3A_799 = vector.shape_cast %swap3A_798 : vector<1x16xi32> to vector<16xi32>
    %swap3A_800 = vector.shape_cast %add3A_794 : vector<16xi32> to vector<1x16xi32>
    tpu.vector_store %arg5[%swap3A_796, %swap3A_797], %swap3A_800 {strides = array<i32>} : memref<50x128xi32, #tpu.memory_space<vmem>>, vector<1x16xi32>,
    %add3A_801 = arith.constant 112 : i32
    %add3A_802 = arith.addi %mul3A_2, %add3A_801 : i32
    %add3A_803 = vector.broadcast %add3A_802 : i32 to vector<16xi32>
    %add3A_804 = arith.addi %add3A_803, %iota3A : vector<16xi32>
    %get3A_805 = arith.constant 4 : i32
    %get3A_806 = arith.index_cast %get3A_805 : i32 to index
    %get3A_807 = arith.constant 112 : index
    %get3A_808 = tpu.vector_load %arg5[%get3A_806, %get3A_807] {strides = array<i32>} : memref<50x128xi32, #tpu.memory_space<vmem>>, vector<1x16xi32>,
    %get3A_809 = vector.shape_cast %get3A_808 : vector<1x16xi32> to vector<16xi32>
    %mul3A_810 = arith.constant 200 : i32
    %mul3A_811 = vector.broadcast %mul3A_810 : i32 to vector<16xi32>
    %mul3A_812 = arith.muli %add3A_804, %mul3A_811 : vector<16xi32>
    %add3A_813 = arith.addi %get3A_809, %mul3A_812 : vector<16xi32>
    %swap3A_814 = arith.constant 4 : i32
    %swap3A_815 = arith.index_cast %swap3A_814 : i32 to index
    %swap3A_816 = arith.constant 112 : index
    %swap3A_817 = tpu.vector_load %arg5[%swap3A_815, %swap3A_816] {strides = array<i32>} : memref<50x128xi32, #tpu.memory_space<vmem>>, vector<1x16xi32>,
    %swap3A_818 = vector.shape_cast %swap3A_817 : vector<1x16xi32> to vector<16xi32>
    %swap3A_819 = vector.shape_cast %add3A_813 : vector<16xi32> to vector<1x16xi32>
    tpu.vector_store %arg5[%swap3A_815, %swap3A_816], %swap3A_819 {strides = array<i32>} : memref<50x128xi32, #tpu.memory_space<vmem>>, vector<1x16xi32>,
    %dma_start3A_820 = arith.constant 4 : i32
    %dma_start3A_821 = arith.constant 4 : i32
    %dma_start3A_822 = arith.constant 4 : i32
    %dma_start3A_823 = arith.constant 0 : i32
    %dma_start3A_824 = arith.constant 0 : i32
    %dma_start3A_825 = tpu.memref_slice %arg6[%dma_start3A_821, %dma_start3A_823, %dma_start3A_824] : memref<6x128x128xf32, #tpu.memory_space<vmem>> -> memref<1x128x128xf32, #tpu.memory_space<vmem>>
    %dma_start3A_826 = tpu.memref_squeeze %dma_start3A_825 : memref<1x128x128xf32, #tpu.memory_space<vmem>> -> memref<128x128xf32, #tpu.memory_space<vmem>>
    %dma_start3A_827 = arith.constant 0 : i32
    %dma_start3A_828 = tpu.memref_slice %arg5[%dma_start3A_820, %dma_start3A_827] : memref<50x128xi32, #tpu.memory_space<vmem>> -> memref<1x128xi32, #tpu.memory_space<vmem>>
    %dma_start3A_829 = tpu.memref_squeeze %dma_start3A_828 : memref<1x128xi32, #tpu.memory_space<vmem>> -> memref<128xi32, #tpu.memory_space<vmem>>
    %dma_start3A_830 = arith.constant 0 : i32
    %dma_start3A_831 = arith.constant 0 : i32
    %dma_start3A_832 = tpu.memref_slice %arg2[%dma_start3A_830, %dma_start3A_831] : memref<819200x128xf32, #tpu.memory_space<hbm>> -> memref<819200x128xf32, #tpu.memory_space<hbm>>
    %dma_start3A_833 = tpu.memref_slice %arg7[%dma_start3A_822] : memref<6x!tpu.dma_semaphore, #tpu.memory_space<semaphore_mem>> -> memref<1x!tpu.dma_semaphore, #tpu.memory_space<semaphore_mem>>
    %dma_start3A_834 = tpu.memref_squeeze %dma_start3A_833 : memref<1x!tpu.dma_semaphore, #tpu.memory_space<semaphore_mem>> -> memref<!tpu.dma_semaphore, #tpu.memory_space<semaphore_mem>>
    tpu.enqueue_indirect_dma source(%dma_start3A_832 : memref<819200x128xf32, #tpu.memory_space<hbm>>) target(%dma_start3A_826 : memref<128x128xf32, #tpu.memory_space<vmem>>) offsets(%dma_start3A_829 : memref<128xi32, #tpu.memory_space<vmem>>) semaphore(%dma_start3A_834 : memref<!tpu.dma_semaphore, #tpu.memory_space<semaphore_mem>>)
    %add3A_835 = arith.constant 0 : i32
    %add3A_836 = arith.addi %mul3A_2, %add3A_835 : i32
    %add3A_837 = vector.broadcast %add3A_836 : i32 to vector<16xi32>
    %add3A_838 = arith.addi %add3A_837, %iota3A : vector<16xi32>
    %get3A_839 = arith.constant 5 : i32
    %get3A_840 = arith.index_cast %get3A_839 : i32 to index
    %get3A_841 = arith.constant 0 : index
    %get3A_842 = tpu.vector_load %arg5[%get3A_840, %get3A_841] {strides = array<i32>} : memref<50x128xi32, #tpu.memory_space<vmem>>, vector<1x16xi32>,
    %get3A_843 = vector.shape_cast %get3A_842 : vector<1x16xi32> to vector<16xi32>
    %mul3A_844 = arith.constant 200 : i32
    %mul3A_845 = vector.broadcast %mul3A_844 : i32 to vector<16xi32>
    %mul3A_846 = arith.muli %add3A_838, %mul3A_845 : vector<16xi32>
    %add3A_847 = arith.addi %get3A_843, %mul3A_846 : vector<16xi32>
    %swap3A_848 = arith.constant 5 : i32
    %swap3A_849 = arith.index_cast %swap3A_848 : i32 to index
    %swap3A_850 = arith.constant 0 : index
    %swap3A_851 = tpu.vector_load %arg5[%swap3A_849, %swap3A_850] {strides = array<i32>} : memref<50x128xi32, #tpu.memory_space<vmem>>, vector<1x16xi32>,
    %swap3A_852 = vector.shape_cast %swap3A_851 : vector<1x16xi32> to vector<16xi32>
    %swap3A_853 = vector.shape_cast %add3A_847 : vector<16xi32> to vector<1x16xi32>
    tpu.vector_store %arg5[%swap3A_849, %swap3A_850], %swap3A_853 {strides = array<i32>} : memref<50x128xi32, #tpu.memory_space<vmem>>, vector<1x16xi32>,
    %add3A_854 = arith.constant 16 : i32
    %add3A_855 = arith.addi %mul3A_2, %add3A_854 : i32
    %add3A_856 = vector.broadcast %add3A_855 : i32 to vector<16xi32>
    %add3A_857 = arith.addi %add3A_856, %iota3A : vector<16xi32>
    %get3A_858 = arith.constant 5 : i32
    %get3A_859 = arith.index_cast %get3A_858 : i32 to index
    %get3A_860 = arith.constant 16 : index
    %get3A_861 = tpu.vector_load %arg5[%get3A_859, %get3A_860] {strides = array<i32>} : memref<50x128xi32, #tpu.memory_space<vmem>>, vector<1x16xi32>,
    %get3A_862 = vector.shape_cast %get3A_861 : vector<1x16xi32> to vector<16xi32>
    %mul3A_863 = arith.constant 200 : i32
    %mul3A_864 = vector.broadcast %mul3A_863 : i32 to vector<16xi32>
    %mul3A_865 = arith.muli %add3A_857, %mul3A_864 : vector<16xi32>
    %add3A_866 = arith.addi %get3A_862, %mul3A_865 : vector<16xi32>
    %swap3A_867 = arith.constant 5 : i32
    %swap3A_868 = arith.index_cast %swap3A_867 : i32 to index
    %swap3A_869 = arith.constant 16 : index
    %swap3A_870 = tpu.vector_load %arg5[%swap3A_868, %swap3A_869] {strides = array<i32>} : memref<50x128xi32, #tpu.memory_space<vmem>>, vector<1x16xi32>,
    %swap3A_871 = vector.shape_cast %swap3A_870 : vector<1x16xi32> to vector<16xi32>
    %swap3A_872 = vector.shape_cast %add3A_866 : vector<16xi32> to vector<1x16xi32>
    tpu.vector_store %arg5[%swap3A_868, %swap3A_869], %swap3A_872 {strides = array<i32>} : memref<50x128xi32, #tpu.memory_space<vmem>>, vector<1x16xi32>,
    %add3A_873 = arith.constant 32 : i32
    %add3A_874 = arith.addi %mul3A_2, %add3A_873 : i32
    %add3A_875 = vector.broadcast %add3A_874 : i32 to vector<16xi32>
    %add3A_876 = arith.addi %add3A_875, %iota3A : vector<16xi32>
    %get3A_877 = arith.constant 5 : i32
    %get3A_878 = arith.index_cast %get3A_877 : i32 to index
    %get3A_879 = arith.constant 32 : index
    %get3A_880 = tpu.vector_load %arg5[%get3A_878, %get3A_879] {strides = array<i32>} : memref<50x128xi32, #tpu.memory_space<vmem>>, vector<1x16xi32>,
    %get3A_881 = vector.shape_cast %get3A_880 : vector<1x16xi32> to vector<16xi32>
    %mul3A_882 = arith.constant 200 : i32
    %mul3A_883 = vector.broadcast %mul3A_882 : i32 to vector<16xi32>
    %mul3A_884 = arith.muli %add3A_876, %mul3A_883 : vector<16xi32>
    %add3A_885 = arith.addi %get3A_881, %mul3A_884 : vector<16xi32>
    %swap3A_886 = arith.constant 5 : i32
    %swap3A_887 = arith.index_cast %swap3A_886 : i32 to index
    %swap3A_888 = arith.constant 32 : index
    %swap3A_889 = tpu.vector_load %arg5[%swap3A_887, %swap3A_888] {strides = array<i32>} : memref<50x128xi32, #tpu.memory_space<vmem>>, vector<1x16xi32>,
    %swap3A_890 = vector.shape_cast %swap3A_889 : vector<1x16xi32> to vector<16xi32>
    %swap3A_891 = vector.shape_cast %add3A_885 : vector<16xi32> to vector<1x16xi32>
    tpu.vector_store %arg5[%swap3A_887, %swap3A_888], %swap3A_891 {strides = array<i32>} : memref<50x128xi32, #tpu.memory_space<vmem>>, vector<1x16xi32>,
    %add3A_892 = arith.constant 48 : i32
    %add3A_893 = arith.addi %mul3A_2, %add3A_892 : i32
    %add3A_894 = vector.broadcast %add3A_893 : i32 to vector<16xi32>
    %add3A_895 = arith.addi %add3A_894, %iota3A : vector<16xi32>
    %get3A_896 = arith.constant 5 : i32
    %get3A_897 = arith.index_cast %get3A_896 : i32 to index
    %get3A_898 = arith.constant 48 : index
    %get3A_899 = tpu.vector_load %arg5[%get3A_897, %get3A_898] {strides = array<i32>} : memref<50x128xi32, #tpu.memory_space<vmem>>, vector<1x16xi32>,
    %get3A_900 = vector.shape_cast %get3A_899 : vector<1x16xi32> to vector<16xi32>
    %mul3A_901 = arith.constant 200 : i32
    %mul3A_902 = vector.broadcast %mul3A_901 : i32 to vector<16xi32>
    %mul3A_903 = arith.muli %add3A_895, %mul3A_902 : vector<16xi32>
    %add3A_904 = arith.addi %get3A_900, %mul3A_903 : vector<16xi32>
    %swap3A_905 = arith.constant 5 : i32
    %swap3A_906 = arith.index_cast %swap3A_905 : i32 to index
    %swap3A_907 = arith.constant 48 : index
    %swap3A_908 = tpu.vector_load %arg5[%swap3A_906, %swap3A_907] {strides = array<i32>} : memref<50x128xi32, #tpu.memory_space<vmem>>, vector<1x16xi32>,
    %swap3A_909 = vector.shape_cast %swap3A_908 : vector<1x16xi32> to vector<16xi32>
    %swap3A_910 = vector.shape_cast %add3A_904 : vector<16xi32> to vector<1x16xi32>
    tpu.vector_store %arg5[%swap3A_906, %swap3A_907], %swap3A_910 {strides = array<i32>} : memref<50x128xi32, #tpu.memory_space<vmem>>, vector<1x16xi32>,
    %add3A_911 = arith.constant 64 : i32
    %add3A_912 = arith.addi %mul3A_2, %add3A_911 : i32
    %add3A_913 = vector.broadcast %add3A_912 : i32 to vector<16xi32>
    %add3A_914 = arith.addi %add3A_913, %iota3A : vector<16xi32>
    %get3A_915 = arith.constant 5 : i32
    %get3A_916 = arith.index_cast %get3A_915 : i32 to index
    %get3A_917 = arith.constant 64 : index
    %get3A_918 = tpu.vector_load %arg5[%get3A_916, %get3A_917] {strides = array<i32>} : memref<50x128xi32, #tpu.memory_space<vmem>>, vector<1x16xi32>,
    %get3A_919 = vector.shape_cast %get3A_918 : vector<1x16xi32> to vector<16xi32>
    %mul3A_920 = arith.constant 200 : i32
    %mul3A_921 = vector.broadcast %mul3A_920 : i32 to vector<16xi32>
    %mul3A_922 = arith.muli %add3A_914, %mul3A_921 : vector<16xi32>
    %add3A_923 = arith.addi %get3A_919, %mul3A_922 : vector<16xi32>
    %swap3A_924 = arith.constant 5 : i32
    %swap3A_925 = arith.index_cast %swap3A_924 : i32 to index
    %swap3A_926 = arith.constant 64 : index
    %swap3A_927 = tpu.vector_load %arg5[%swap3A_925, %swap3A_926] {strides = array<i32>} : memref<50x128xi32, #tpu.memory_space<vmem>>, vector<1x16xi32>,
    %swap3A_928 = vector.shape_cast %swap3A_927 : vector<1x16xi32> to vector<16xi32>
    %swap3A_929 = vector.shape_cast %add3A_923 : vector<16xi32> to vector<1x16xi32>
    tpu.vector_store %arg5[%swap3A_925, %swap3A_926], %swap3A_929 {strides = array<i32>} : memref<50x128xi32, #tpu.memory_space<vmem>>, vector<1x16xi32>,
    %add3A_930 = arith.constant 80 : i32
    %add3A_931 = arith.addi %mul3A_2, %add3A_930 : i32
    %add3A_932 = vector.broadcast %add3A_931 : i32 to vector<16xi32>
    %add3A_933 = arith.addi %add3A_932, %iota3A : vector<16xi32>
    %get3A_934 = arith.constant 5 : i32
    %get3A_935 = arith.index_cast %get3A_934 : i32 to index
    %get3A_936 = arith.constant 80 : index
    %get3A_937 = tpu.vector_load %arg5[%get3A_935, %get3A_936] {strides = array<i32>} : memref<50x128xi32, #tpu.memory_space<vmem>>, vector<1x16xi32>,
    %get3A_938 = vector.shape_cast %get3A_937 : vector<1x16xi32> to vector<16xi32>
    %mul3A_939 = arith.constant 200 : i32
    %mul3A_940 = vector.broadcast %mul3A_939 : i32 to vector<16xi32>
    %mul3A_941 = arith.muli %add3A_933, %mul3A_940 : vector<16xi32>
    %add3A_942 = arith.addi %get3A_938, %mul3A_941 : vector<16xi32>
    %swap3A_943 = arith.constant 5 : i32
    %swap3A_944 = arith.index_cast %swap3A_943 : i32 to index
    %swap3A_945 = arith.constant 80 : index
    %swap3A_946 = tpu.vector_load %arg5[%swap3A_944, %swap3A_945] {strides = array<i32>} : memref<50x128xi32, #tpu.memory_space<vmem>>, vector<1x16xi32>,
    %swap3A_947 = vector.shape_cast %swap3A_946 : vector<1x16xi32> to vector<16xi32>
    %swap3A_948 = vector.shape_cast %add3A_942 : vector<16xi32> to vector<1x16xi32>
    tpu.vector_store %arg5[%swap3A_944, %swap3A_945], %swap3A_948 {strides = array<i32>} : memref<50x128xi32, #tpu.memory_space<vmem>>, vector<1x16xi32>,
    %add3A_949 = arith.constant 96 : i32
    %add3A_950 = arith.addi %mul3A_2, %add3A_949 : i32
    %add3A_951 = vector.broadcast %add3A_950 : i32 to vector<16xi32>
    %add3A_952 = arith.addi %add3A_951, %iota3A : vector<16xi32>
    %get3A_953 = arith.constant 5 : i32
    %get3A_954 = arith.index_cast %get3A_953 : i32 to index
    %get3A_955 = arith.constant 96 : index
    %get3A_956 = tpu.vector_load %arg5[%get3A_954, %get3A_955] {strides = array<i32>} : memref<50x128xi32, #tpu.memory_space<vmem>>, vector<1x16xi32>,
    %get3A_957 = vector.shape_cast %get3A_956 : vector<1x16xi32> to vector<16xi32>
    %mul3A_958 = arith.constant 200 : i32
    %mul3A_959 = vector.broadcast %mul3A_958 : i32 to vector<16xi32>
    %mul3A_960 = arith.muli %add3A_952, %mul3A_959 : vector<16xi32>
    %add3A_961 = arith.addi %get3A_957, %mul3A_960 : vector<16xi32>
    %swap3A_962 = arith.constant 5 : i32
    %swap3A_963 = arith.index_cast %swap3A_962 : i32 to index
    %swap3A_964 = arith.constant 96 : index
    %swap3A_965 = tpu.vector_load %arg5[%swap3A_963, %swap3A_964] {strides = array<i32>} : memref<50x128xi32, #tpu.memory_space<vmem>>, vector<1x16xi32>,
    %swap3A_966 = vector.shape_cast %swap3A_965 : vector<1x16xi32> to vector<16xi32>
    %swap3A_967 = vector.shape_cast %add3A_961 : vector<16xi32> to vector<1x16xi32>
    tpu.vector_store %arg5[%swap3A_963, %swap3A_964], %swap3A_967 {strides = array<i32>} : memref<50x128xi32, #tpu.memory_space<vmem>>, vector<1x16xi32>,
    %add3A_968 = arith.constant 112 : i32
    %add3A_969 = arith.addi %mul3A_2, %add3A_968 : i32
    %add3A_970 = vector.broadcast %add3A_969 : i32 to vector<16xi32>
    %add3A_971 = arith.addi %add3A_970, %iota3A : vector<16xi32>
    %get3A_972 = arith.constant 5 : i32
    %get3A_973 = arith.index_cast %get3A_972 : i32 to index
    %get3A_974 = arith.constant 112 : index
    %get3A_975 = tpu.vector_load %arg5[%get3A_973, %get3A_974] {strides = array<i32>} : memref<50x128xi32, #tpu.memory_space<vmem>>, vector<1x16xi32>,
    %get3A_976 = vector.shape_cast %get3A_975 : vector<1x16xi32> to vector<16xi32>
    %mul3A_977 = arith.constant 200 : i32
    %mul3A_978 = vector.broadcast %mul3A_977 : i32 to vector<16xi32>
    %mul3A_979 = arith.muli %add3A_971, %mul3A_978 : vector<16xi32>
    %add3A_980 = arith.addi %get3A_976, %mul3A_979 : vector<16xi32>
    %swap3A_981 = arith.constant 5 : i32
    %swap3A_982 = arith.index_cast %swap3A_981 : i32 to index
    %swap3A_983 = arith.constant 112 : index
    %swap3A_984 = tpu.vector_load %arg5[%swap3A_982, %swap3A_983] {strides = array<i32>} : memref<50x128xi32, #tpu.memory_space<vmem>>, vector<1x16xi32>,
    %swap3A_985 = vector.shape_cast %swap3A_984 : vector<1x16xi32> to vector<16xi32>
    %swap3A_986 = vector.shape_cast %add3A_980 : vector<16xi32> to vector<1x16xi32>
    tpu.vector_store %arg5[%swap3A_982, %swap3A_983], %swap3A_986 {strides = array<i32>} : memref<50x128xi32, #tpu.memory_space<vmem>>, vector<1x16xi32>,
    %dma_start3A_987 = arith.constant 5 : i32
    %dma_start3A_988 = arith.constant 5 : i32
    %dma_start3A_989 = arith.constant 5 : i32
    %dma_start3A_990 = arith.constant 0 : i32
    %dma_start3A_991 = arith.constant 0 : i32
    %dma_start3A_992 = tpu.memref_slice %arg6[%dma_start3A_988, %dma_start3A_990, %dma_start3A_991] : memref<6x128x128xf32, #tpu.memory_space<vmem>> -> memref<1x128x128xf32, #tpu.memory_space<vmem>>
    %dma_start3A_993 = tpu.memref_squeeze %dma_start3A_992 : memref<1x128x128xf32, #tpu.memory_space<vmem>> -> memref<128x128xf32, #tpu.memory_space<vmem>>
    %dma_start3A_994 = arith.constant 0 : i32
    %dma_start3A_995 = tpu.memref_slice %arg5[%dma_start3A_987, %dma_start3A_994] : memref<50x128xi32, #tpu.memory_space<vmem>> -> memref<1x128xi32, #tpu.memory_space<vmem>>
    %dma_start3A_996 = tpu.memref_squeeze %dma_start3A_995 : memref<1x128xi32, #tpu.memory_space<vmem>> -> memref<128xi32, #tpu.memory_space<vmem>>
    %dma_start3A_997 = arith.constant 0 : i32
    %dma_start3A_998 = arith.constant 0 : i32
    %dma_start3A_999 = tpu.memref_slice %arg2[%dma_start3A_997, %dma_start3A_998] : memref<819200x128xf32, #tpu.memory_space<hbm>> -> memref<819200x128xf32, #tpu.memory_space<hbm>>
    %dma_start3A_1000 = tpu.memref_slice %arg7[%dma_start3A_989] : memref<6x!tpu.dma_semaphore, #tpu.memory_space<semaphore_mem>> -> memref<1x!tpu.dma_semaphore, #tpu.memory_space<semaphore_mem>>
    %dma_start3A_1001 = tpu.memref_squeeze %dma_start3A_1000 : memref<1x!tpu.dma_semaphore, #tpu.memory_space<semaphore_mem>> -> memref<!tpu.dma_semaphore, #tpu.memory_space<semaphore_mem>>
    tpu.enqueue_indirect_dma source(%dma_start3A_999 : memref<819200x128xf32, #tpu.memory_space<hbm>>) target(%dma_start3A_993 : memref<128x128xf32, #tpu.memory_space<vmem>>) offsets(%dma_start3A_996 : memref<128xi32, #tpu.memory_space<vmem>>) semaphore(%dma_start3A_1001 : memref<!tpu.dma_semaphore, #tpu.memory_space<semaphore_mem>>)
    %scan3A = arith.constant 0 : i32
    %scan3A_1002 = arith.constant 0 : i32
    %scan3A_1003 = arith.constant 50 : i32
    %scan3A_1004 = arith.addi %scan3A_1002, %scan3A_1003 : i32
    %scan3A_1005 = arith.constant 1 : i32
    %scan3A_1006 = scf.for %scan3A_1115 = %scan3A_1002 to %scan3A_1004 step %scan3A_1005 iter_args(%scan3A_1116 = %scan3A) -> (i32)  : i32 {
      %dma_wait3A_1117 = arith.constant 0 : i32
      %dma_wait3A_1118 = arith.constant 0 : i32
      %dma_wait3A_1119 = tpu.memref_slice %arg6[%scan3A_1116, %dma_wait3A_1117, %dma_wait3A_1118] : memref<6x128x128xf32, #tpu.memory_space<vmem>> -> memref<1x128x128xf32, #tpu.memory_space<vmem>>
      %dma_wait3A_1120 = tpu.memref_squeeze %dma_wait3A_1119 : memref<1x128x128xf32, #tpu.memory_space<vmem>> -> memref<128x128xf32, #tpu.memory_space<vmem>>
      %dma_wait3A_1121 = arith.constant 0 : i32
      %dma_wait3A_1122 = arith.constant 0 : i32
      %dma_wait3A_1123 = tpu.memref_slice %arg2[%dma_wait3A_1121, %dma_wait3A_1122] : memref<819200x128xf32, #tpu.memory_space<hbm>> -> memref<128x128xf32, #tpu.memory_space<hbm>>
      %dma_wait3A_1124 = tpu.memref_slice %arg7[%scan3A_1116] : memref<6x!tpu.dma_semaphore, #tpu.memory_space<semaphore_mem>> -> memref<1x!tpu.dma_semaphore, #tpu.memory_space<semaphore_mem>>
      %dma_wait3A_1125 = tpu.memref_squeeze %dma_wait3A_1124 : memref<1x!tpu.dma_semaphore, #tpu.memory_space<semaphore_mem>> -> memref<!tpu.dma_semaphore, #tpu.memory_space<semaphore_mem>>
      %dma_wait3A_1126 = arith.constant 0 : i32
      %dma_wait3A_1127 = arith.constant 0 : i32
      %dma_wait3A_1128 = tpu.memref_slice %arg6[%scan3A_1116, %dma_wait3A_1126, %dma_wait3A_1127] : memref<6x128x128xf32, #tpu.memory_space<vmem>> -> memref<1x128x128xf32, #tpu.memory_space<vmem>>
      %dma_wait3A_1129 = tpu.memref_squeeze %dma_wait3A_1128 : memref<1x128x128xf32, #tpu.memory_space<vmem>> -> memref<128x128xf32, #tpu.memory_space<vmem>>
      %dma_wait3A_1130 = arith.constant 0 : i32
      %dma_wait3A_1131 = arith.constant 0 : i32
      %dma_wait3A_1132 = tpu.memref_slice %arg2[%dma_wait3A_1130, %dma_wait3A_1131] : memref<819200x128xf32, #tpu.memory_space<hbm>> -> memref<128x128xf32, #tpu.memory_space<hbm>>
      tpu.wait_dma2 semaphore(%dma_wait3A_1125 : memref<!tpu.dma_semaphore, #tpu.memory_space<semaphore_mem>>) src(%dma_wait3A_1132 : memref<128x128xf32, #tpu.memory_space<hbm>>) dst(%dma_wait3A_1129 : memref<128x128xf32, #tpu.memory_space<vmem>>)
      %mul3A_1133 = arith.constant 4096 : i32
      %mul3A_1134 = arith.muli %scan3A_1115, %mul3A_1133 : i32
      %add3A_1135 = arith.addi %mul3A_1134, %mul3A_2 : i32
      %multiple_of3A = tpu.assume_multiple %add3A_1135, 128 : i32
      %dma_start3A_1136 = arith.constant 0 : i32
      %dma_start3A_1137 = arith.constant 0 : i32
      %dma_start3A_1138 = tpu.memref_slice %arg6[%scan3A_1116, %dma_start3A_1136, %dma_start3A_1137] : memref<6x128x128xf32, #tpu.memory_space<vmem>> -> memref<1x128x128xf32, #tpu.memory_space<vmem>>
      %dma_start3A_1139 = tpu.memref_squeeze %dma_start3A_1138 : memref<1x128x128xf32, #tpu.memory_space<vmem>> -> memref<128x128xf32, #tpu.memory_space<vmem>>
      %dma_start3A_1140 = arith.constant 0 : i32
      %dma_start3A_1141 = tpu.memref_slice %arg4[%multiple_of3A, %dma_start3A_1140] : memref<204800x128xf32, #tpu.memory_space<hbm>> -> memref<128x128xf32, #tpu.memory_space<hbm>>
      %dma_start3A_1142 = tpu.memref_slice %arg8[%scan3A_1116] : memref<6x!tpu.dma_semaphore, #tpu.memory_space<semaphore_mem>> -> memref<1x!tpu.dma_semaphore, #tpu.memory_space<semaphore_mem>>
      %dma_start3A_1143 = tpu.memref_squeeze %dma_start3A_1142 : memref<1x!tpu.dma_semaphore, #tpu.memory_space<semaphore_mem>> -> memref<!tpu.dma_semaphore, #tpu.memory_space<semaphore_mem>>
      %dma_start3A_1144 = arith.constant 0 : i32
      %dma_start3A_1145 = tpu.memref_slice %arg4[%multiple_of3A, %dma_start3A_1144] : memref<204800x128xf32, #tpu.memory_space<hbm>> -> memref<128x128xf32, #tpu.memory_space<hbm>>
      %dma_start3A_1146 = arith.constant 0 : i32
      %dma_start3A_1147 = arith.constant 0 : i32
      %dma_start3A_1148 = tpu.memref_slice %arg6[%scan3A_1116, %dma_start3A_1146, %dma_start3A_1147] : memref<6x128x128xf32, #tpu.memory_space<vmem>> -> memref<1x128x128xf32, #tpu.memory_space<vmem>>
      %dma_start3A_1149 = tpu.memref_squeeze %dma_start3A_1148 : memref<1x128x128xf32, #tpu.memory_space<vmem>> -> memref<128x128xf32, #tpu.memory_space<vmem>>
      tpu.enqueue_dma source(%dma_start3A_1149 : memref<128x128xf32, #tpu.memory_space<vmem>>) target(%dma_start3A_1145 : memref<128x128xf32, #tpu.memory_space<hbm>>) target_semaphore(%dma_start3A_1143 : memref<!tpu.dma_semaphore, #tpu.memory_space<semaphore_mem>>)
      %add3A_1150 = arith.constant 6 : i32
      %add3A_1151 = arith.addi %scan3A_1115, %add3A_1150 : i32
      %lt3A = arith.constant 50 : i32
      %lt3A_1152 = arith.cmpi slt, %add3A_1151, %lt3A : i32
      %convert_element_type3A = arith.extui %lt3A_1152 : i1 to i32
      %cond3A = arith.constant 0 : i32
      %cond3A_1153 = arith.cmpi ne, %convert_element_type3A, %cond3A : i32
      scf.if %cond3A_1153 {
        %dma_wait3A_1158 = arith.constant 0 : i32
        %dma_wait3A_1159 = arith.constant 0 : i32
        %dma_wait3A_1160 = tpu.memref_slice %arg6[%scan3A_1116, %dma_wait3A_1158, %dma_wait3A_1159] : memref<6x128x128xf32, #tpu.memory_space<vmem>> -> memref<1x128x128xf32, #tpu.memory_space<vmem>>
        %dma_wait3A_1161 = tpu.memref_squeeze %dma_wait3A_1160 : memref<1x128x128xf32, #tpu.memory_space<vmem>> -> memref<128x128xf32, #tpu.memory_space<vmem>>
        %dma_wait3A_1162 = arith.constant 0 : i32
        %dma_wait3A_1163 = arith.constant 0 : i32
        %dma_wait3A_1164 = tpu.memref_slice %arg4[%dma_wait3A_1162, %dma_wait3A_1163] : memref<204800x128xf32, #tpu.memory_space<hbm>> -> memref<128x128xf32, #tpu.memory_space<hbm>>
        %dma_wait3A_1165 = tpu.memref_slice %arg8[%scan3A_1116] : memref<6x!tpu.dma_semaphore, #tpu.memory_space<semaphore_mem>> -> memref<1x!tpu.dma_semaphore, #tpu.memory_space<semaphore_mem>>
        %dma_wait3A_1166 = tpu.memref_squeeze %dma_wait3A_1165 : memref<1x!tpu.dma_semaphore, #tpu.memory_space<semaphore_mem>> -> memref<!tpu.dma_semaphore, #tpu.memory_space<semaphore_mem>>
        %dma_wait3A_1167 = arith.constant 0 : i32
        %dma_wait3A_1168 = arith.constant 0 : i32
        %dma_wait3A_1169 = tpu.memref_slice %arg4[%dma_wait3A_1167, %dma_wait3A_1168] : memref<204800x128xf32, #tpu.memory_space<hbm>> -> memref<128x128xf32, #tpu.memory_space<hbm>>
        %dma_wait3A_1170 = arith.constant 0 : i32
        %dma_wait3A_1171 = arith.constant 0 : i32
        %dma_wait3A_1172 = tpu.memref_slice %arg6[%scan3A_1116, %dma_wait3A_1170, %dma_wait3A_1171] : memref<6x128x128xf32, #tpu.memory_space<vmem>> -> memref<1x128x128xf32, #tpu.memory_space<vmem>>
        %dma_wait3A_1173 = tpu.memref_squeeze %dma_wait3A_1172 : memref<1x128x128xf32, #tpu.memory_space<vmem>> -> memref<128x128xf32, #tpu.memory_space<vmem>>
        tpu.wait_dma2 semaphore(%dma_wait3A_1166 : memref<!tpu.dma_semaphore, #tpu.memory_space<semaphore_mem>>) src(%dma_wait3A_1173 : memref<128x128xf32, #tpu.memory_space<vmem>>) dst(%dma_wait3A_1169 : memref<128x128xf32, #tpu.memory_space<hbm>>)
        %add3A_1174 = arith.constant 6 : i32
        %add3A_1175 = arith.addi %scan3A_1115, %add3A_1174 : i32
        %add3A_1176 = arith.constant 0 : i32
        %add3A_1177 = arith.addi %mul3A_2, %add3A_1176 : i32
        %add3A_1178 = vector.broadcast %add3A_1177 : i32 to vector<16xi32>
        %add3A_1179 = arith.addi %add3A_1178, %iota3A : vector<16xi32>
        %get3A_1180 = arith.index_cast %add3A_1175 : i32 to index
        %get3A_1181 = arith.constant 0 : index
        %get3A_1182 = tpu.vector_load %arg5[%get3A_1180, %get3A_1181] {strides = array<i32>} : memref<50x128xi32, #tpu.memory_space<vmem>>, vector<1x16xi32>,
        %get3A_1183 = vector.shape_cast %get3A_1182 : vector<1x16xi32> to vector<16xi32>
        %mul3A_1184 = arith.constant 200 : i32
        %mul3A_1185 = vector.broadcast %mul3A_1184 : i32 to vector<16xi32>
        %mul3A_1186 = arith.muli %add3A_1179, %mul3A_1185 : vector<16xi32>
        %add3A_1187 = arith.addi %get3A_1183, %mul3A_1186 : vector<16xi32>
        %swap3A_1188 = arith.index_cast %add3A_1175 : i32 to index
        %swap3A_1189 = arith.constant 0 : index
        %swap3A_1190 = tpu.vector_load %arg5[%swap3A_1188, %swap3A_1189] {strides = array<i32>} : memref<50x128xi32, #tpu.memory_space<vmem>>, vector<1x16xi32>,
        %swap3A_1191 = vector.shape_cast %swap3A_1190 : vector<1x16xi32> to vector<16xi32>
        %swap3A_1192 = vector.shape_cast %add3A_1187 : vector<16xi32> to vector<1x16xi32>
        tpu.vector_store %arg5[%swap3A_1188, %swap3A_1189], %swap3A_1192 {strides = array<i32>} : memref<50x128xi32, #tpu.memory_space<vmem>>, vector<1x16xi32>,
        %add3A_1193 = arith.constant 16 : i32
        %add3A_1194 = arith.addi %mul3A_2, %add3A_1193 : i32
        %add3A_1195 = vector.broadcast %add3A_1194 : i32 to vector<16xi32>
        %add3A_1196 = arith.addi %add3A_1195, %iota3A : vector<16xi32>
        %get3A_1197 = arith.index_cast %add3A_1175 : i32 to index
        %get3A_1198 = arith.constant 16 : index
        %get3A_1199 = tpu.vector_load %arg5[%get3A_1197, %get3A_1198] {strides = array<i32>} : memref<50x128xi32, #tpu.memory_space<vmem>>, vector<1x16xi32>,
        %get3A_1200 = vector.shape_cast %get3A_1199 : vector<1x16xi32> to vector<16xi32>
        %mul3A_1201 = arith.constant 200 : i32
        %mul3A_1202 = vector.broadcast %mul3A_1201 : i32 to vector<16xi32>
        %mul3A_1203 = arith.muli %add3A_1196, %mul3A_1202 : vector<16xi32>
        %add3A_1204 = arith.addi %get3A_1200, %mul3A_1203 : vector<16xi32>
        %swap3A_1205 = arith.index_cast %add3A_1175 : i32 to index
        %swap3A_1206 = arith.constant 16 : index
        %swap3A_1207 = tpu.vector_load %arg5[%swap3A_1205, %swap3A_1206] {strides = array<i32>} : memref<50x128xi32, #tpu.memory_space<vmem>>, vector<1x16xi32>,
        %swap3A_1208 = vector.shape_cast %swap3A_1207 : vector<1x16xi32> to vector<16xi32>
        %swap3A_1209 = vector.shape_cast %add3A_1204 : vector<16xi32> to vector<1x16xi32>
        tpu.vector_store %arg5[%swap3A_1205, %swap3A_1206], %swap3A_1209 {strides = array<i32>} : memref<50x128xi32, #tpu.memory_space<vmem>>, vector<1x16xi32>,
        %add3A_1210 = arith.constant 32 : i32
        %add3A_1211 = arith.addi %mul3A_2, %add3A_1210 : i32
        %add3A_1212 = vector.broadcast %add3A_1211 : i32 to vector<16xi32>
        %add3A_1213 = arith.addi %add3A_1212, %iota3A : vector<16xi32>
        %get3A_1214 = arith.index_cast %add3A_1175 : i32 to index
        %get3A_1215 = arith.constant 32 : index
        %get3A_1216 = tpu.vector_load %arg5[%get3A_1214, %get3A_1215] {strides = array<i32>} : memref<50x128xi32, #tpu.memory_space<vmem>>, vector<1x16xi32>,
        %get3A_1217 = vector.shape_cast %get3A_1216 : vector<1x16xi32> to vector<16xi32>
        %mul3A_1218 = arith.constant 200 : i32
        %mul3A_1219 = vector.broadcast %mul3A_1218 : i32 to vector<16xi32>
        %mul3A_1220 = arith.muli %add3A_1213, %mul3A_1219 : vector<16xi32>
        %add3A_1221 = arith.addi %get3A_1217, %mul3A_1220 : vector<16xi32>
        %swap3A_1222 = arith.index_cast %add3A_1175 : i32 to index
        %swap3A_1223 = arith.constant 32 : index
        %swap3A_1224 = tpu.vector_load %arg5[%swap3A_1222, %swap3A_1223] {strides = array<i32>} : memref<50x128xi32, #tpu.memory_space<vmem>>, vector<1x16xi32>,
        %swap3A_1225 = vector.shape_cast %swap3A_1224 : vector<1x16xi32> to vector<16xi32>
        %swap3A_1226 = vector.shape_cast %add3A_1221 : vector<16xi32> to vector<1x16xi32>
        tpu.vector_store %arg5[%swap3A_1222, %swap3A_1223], %swap3A_1226 {strides = array<i32>} : memref<50x128xi32, #tpu.memory_space<vmem>>, vector<1x16xi32>,
        %add3A_1227 = arith.constant 48 : i32
        %add3A_1228 = arith.addi %mul3A_2, %add3A_1227 : i32
        %add3A_1229 = vector.broadcast %add3A_1228 : i32 to vector<16xi32>
        %add3A_1230 = arith.addi %add3A_1229, %iota3A : vector<16xi32>
        %get3A_1231 = arith.index_cast %add3A_1175 : i32 to index
        %get3A_1232 = arith.constant 48 : index
        %get3A_1233 = tpu.vector_load %arg5[%get3A_1231, %get3A_1232] {strides = array<i32>} : memref<50x128xi32, #tpu.memory_space<vmem>>, vector<1x16xi32>,
        %get3A_1234 = vector.shape_cast %get3A_1233 : vector<1x16xi32> to vector<16xi32>
        %mul3A_1235 = arith.constant 200 : i32
        %mul3A_1236 = vector.broadcast %mul3A_1235 : i32 to vector<16xi32>
        %mul3A_1237 = arith.muli %add3A_1230, %mul3A_1236 : vector<16xi32>
        %add3A_1238 = arith.addi %get3A_1234, %mul3A_1237 : vector<16xi32>
        %swap3A_1239 = arith.index_cast %add3A_1175 : i32 to index
        %swap3A_1240 = arith.constant 48 : index
        %swap3A_1241 = tpu.vector_load %arg5[%swap3A_1239, %swap3A_1240] {strides = array<i32>} : memref<50x128xi32, #tpu.memory_space<vmem>>, vector<1x16xi32>,
        %swap3A_1242 = vector.shape_cast %swap3A_1241 : vector<1x16xi32> to vector<16xi32>
        %swap3A_1243 = vector.shape_cast %add3A_1238 : vector<16xi32> to vector<1x16xi32>
        tpu.vector_store %arg5[%swap3A_1239, %swap3A_1240], %swap3A_1243 {strides = array<i32>} : memref<50x128xi32, #tpu.memory_space<vmem>>, vector<1x16xi32>,
        %add3A_1244 = arith.constant 64 : i32
        %add3A_1245 = arith.addi %mul3A_2, %add3A_1244 : i32
        %add3A_1246 = vector.broadcast %add3A_1245 : i32 to vector<16xi32>
        %add3A_1247 = arith.addi %add3A_1246, %iota3A : vector<16xi32>
        %get3A_1248 = arith.index_cast %add3A_1175 : i32 to index
        %get3A_1249 = arith.constant 64 : index
        %get3A_1250 = tpu.vector_load %arg5[%get3A_1248, %get3A_1249] {strides = array<i32>} : memref<50x128xi32, #tpu.memory_space<vmem>>, vector<1x16xi32>,
        %get3A_1251 = vector.shape_cast %get3A_1250 : vector<1x16xi32> to vector<16xi32>
        %mul3A_1252 = arith.constant 200 : i32
        %mul3A_1253 = vector.broadcast %mul3A_1252 : i32 to vector<16xi32>
        %mul3A_1254 = arith.muli %add3A_1247, %mul3A_1253 : vector<16xi32>
        %add3A_1255 = arith.addi %get3A_1251, %mul3A_1254 : vector<16xi32>
        %swap3A_1256 = arith.index_cast %add3A_1175 : i32 to index
        %swap3A_1257 = arith.constant 64 : index
        %swap3A_1258 = tpu.vector_load %arg5[%swap3A_1256, %swap3A_1257] {strides = array<i32>} : memref<50x128xi32, #tpu.memory_space<vmem>>, vector<1x16xi32>,
        %swap3A_1259 = vector.shape_cast %swap3A_1258 : vector<1x16xi32> to vector<16xi32>
        %swap3A_1260 = vector.shape_cast %add3A_1255 : vector<16xi32> to vector<1x16xi32>
        tpu.vector_store %arg5[%swap3A_1256, %swap3A_1257], %swap3A_1260 {strides = array<i32>} : memref<50x128xi32, #tpu.memory_space<vmem>>, vector<1x16xi32>,
        %add3A_1261 = arith.constant 80 : i32
        %add3A_1262 = arith.addi %mul3A_2, %add3A_1261 : i32
        %add3A_1263 = vector.broadcast %add3A_1262 : i32 to vector<16xi32>
        %add3A_1264 = arith.addi %add3A_1263, %iota3A : vector<16xi32>
        %get3A_1265 = arith.index_cast %add3A_1175 : i32 to index
        %get3A_1266 = arith.constant 80 : index
        %get3A_1267 = tpu.vector_load %arg5[%get3A_1265, %get3A_1266] {strides = array<i32>} : memref<50x128xi32, #tpu.memory_space<vmem>>, vector<1x16xi32>,
        %get3A_1268 = vector.shape_cast %get3A_1267 : vector<1x16xi32> to vector<16xi32>
        %mul3A_1269 = arith.constant 200 : i32
        %mul3A_1270 = vector.broadcast %mul3A_1269 : i32 to vector<16xi32>
        %mul3A_1271 = arith.muli %add3A_1264, %mul3A_1270 : vector<16xi32>
        %add3A_1272 = arith.addi %get3A_1268, %mul3A_1271 : vector<16xi32>
        %swap3A_1273 = arith.index_cast %add3A_1175 : i32 to index
        %swap3A_1274 = arith.constant 80 : index
        %swap3A_1275 = tpu.vector_load %arg5[%swap3A_1273, %swap3A_1274] {strides = array<i32>} : memref<50x128xi32, #tpu.memory_space<vmem>>, vector<1x16xi32>,
        %swap3A_1276 = vector.shape_cast %swap3A_1275 : vector<1x16xi32> to vector<16xi32>
        %swap3A_1277 = vector.shape_cast %add3A_1272 : vector<16xi32> to vector<1x16xi32>
        tpu.vector_store %arg5[%swap3A_1273, %swap3A_1274], %swap3A_1277 {strides = array<i32>} : memref<50x128xi32, #tpu.memory_space<vmem>>, vector<1x16xi32>,
        %add3A_1278 = arith.constant 96 : i32
        %add3A_1279 = arith.addi %mul3A_2, %add3A_1278 : i32
        %add3A_1280 = vector.broadcast %add3A_1279 : i32 to vector<16xi32>
        %add3A_1281 = arith.addi %add3A_1280, %iota3A : vector<16xi32>
        %get3A_1282 = arith.index_cast %add3A_1175 : i32 to index
        %get3A_1283 = arith.constant 96 : index
        %get3A_1284 = tpu.vector_load %arg5[%get3A_1282, %get3A_1283] {strides = array<i32>} : memref<50x128xi32, #tpu.memory_space<vmem>>, vector<1x16xi32>,
        %get3A_1285 = vector.shape_cast %get3A_1284 : vector<1x16xi32> to vector<16xi32>
        %mul3A_1286 = arith.constant 200 : i32
        %mul3A_1287 = vector.broadcast %mul3A_1286 : i32 to vector<16xi32>
        %mul3A_1288 = arith.muli %add3A_1281, %mul3A_1287 : vector<16xi32>
        %add3A_1289 = arith.addi %get3A_1285, %mul3A_1288 : vector<16xi32>
        %swap3A_1290 = arith.index_cast %add3A_1175 : i32 to index
        %swap3A_1291 = arith.constant 96 : index
        %swap3A_1292 = tpu.vector_load %arg5[%swap3A_1290, %swap3A_1291] {strides = array<i32>} : memref<50x128xi32, #tpu.memory_space<vmem>>, vector<1x16xi32>,
        %swap3A_1293 = vector.shape_cast %swap3A_1292 : vector<1x16xi32> to vector<16xi32>
        %swap3A_1294 = vector.shape_cast %add3A_1289 : vector<16xi32> to vector<1x16xi32>
        tpu.vector_store %arg5[%swap3A_1290, %swap3A_1291], %swap3A_1294 {strides = array<i32>} : memref<50x128xi32, #tpu.memory_space<vmem>>, vector<1x16xi32>,
        %add3A_1295 = arith.constant 112 : i32
        %add3A_1296 = arith.addi %mul3A_2, %add3A_1295 : i32
        %add3A_1297 = vector.broadcast %add3A_1296 : i32 to vector<16xi32>
        %add3A_1298 = arith.addi %add3A_1297, %iota3A : vector<16xi32>
        %get3A_1299 = arith.index_cast %add3A_1175 : i32 to index
        %get3A_1300 = arith.constant 112 : index
        %get3A_1301 = tpu.vector_load %arg5[%get3A_1299, %get3A_1300] {strides = array<i32>} : memref<50x128xi32, #tpu.memory_space<vmem>>, vector<1x16xi32>,
        %get3A_1302 = vector.shape_cast %get3A_1301 : vector<1x16xi32> to vector<16xi32>
        %mul3A_1303 = arith.constant 200 : i32
        %mul3A_1304 = vector.broadcast %mul3A_1303 : i32 to vector<16xi32>
        %mul3A_1305 = arith.muli %add3A_1298, %mul3A_1304 : vector<16xi32>
        %add3A_1306 = arith.addi %get3A_1302, %mul3A_1305 : vector<16xi32>
        %swap3A_1307 = arith.index_cast %add3A_1175 : i32 to index
        %swap3A_1308 = arith.constant 112 : index
        %swap3A_1309 = tpu.vector_load %arg5[%swap3A_1307, %swap3A_1308] {strides = array<i32>} : memref<50x128xi32, #tpu.memory_space<vmem>>, vector<1x16xi32>,
        %swap3A_1310 = vector.shape_cast %swap3A_1309 : vector<1x16xi32> to vector<16xi32>
        %swap3A_1311 = vector.shape_cast %add3A_1306 : vector<16xi32> to vector<1x16xi32>
        tpu.vector_store %arg5[%swap3A_1307, %swap3A_1308], %swap3A_1311 {strides = array<i32>} : memref<50x128xi32, #tpu.memory_space<vmem>>, vector<1x16xi32>,
        %add3A_1312 = arith.constant 6 : i32
        %add3A_1313 = arith.addi %scan3A_1115, %add3A_1312 : i32
        %dma_start3A_1314 = arith.constant 0 : i32
        %dma_start3A_1315 = arith.constant 0 : i32
        %dma_start3A_1316 = tpu.memref_slice %arg6[%scan3A_1116, %dma_start3A_1314, %dma_start3A_1315] : memref<6x128x128xf32, #tpu.memory_space<vmem>> -> memref<1x128x128xf32, #tpu.memory_space<vmem>>
        %dma_start3A_1317 = tpu.memref_squeeze %dma_start3A_1316 : memref<1x128x128xf32, #tpu.memory_space<vmem>> -> memref<128x128xf32, #tpu.memory_space<vmem>>
        %dma_start3A_1318 = arith.constant 0 : i32
        %dma_start3A_1319 = tpu.memref_slice %arg5[%add3A_1313, %dma_start3A_1318] : memref<50x128xi32, #tpu.memory_space<vmem>> -> memref<1x128xi32, #tpu.memory_space<vmem>>
        %dma_start3A_1320 = tpu.memref_squeeze %dma_start3A_1319 : memref<1x128xi32, #tpu.memory_space<vmem>> -> memref<128xi32, #tpu.memory_space<vmem>>
        %dma_start3A_1321 = arith.constant 0 : i32
        %dma_start3A_1322 = arith.constant 0 : i32
        %dma_start3A_1323 = tpu.memref_slice %arg2[%dma_start3A_1321, %dma_start3A_1322] : memref<819200x128xf32, #tpu.memory_space<hbm>> -> memref<819200x128xf32, #tpu.memory_space<hbm>>
        %dma_start3A_1324 = tpu.memref_slice %arg7[%scan3A_1116] : memref<6x!tpu.dma_semaphore, #tpu.memory_space<semaphore_mem>> -> memref<1x!tpu.dma_semaphore, #tpu.memory_space<semaphore_mem>>
        %dma_start3A_1325 = tpu.memref_squeeze %dma_start3A_1324 : memref<1x!tpu.dma_semaphore, #tpu.memory_space<semaphore_mem>> -> memref<!tpu.dma_semaphore, #tpu.memory_space<semaphore_mem>>
        tpu.enqueue_indirect_dma source(%dma_start3A_1323 : memref<819200x128xf32, #tpu.memory_space<hbm>>) target(%dma_start3A_1317 : memref<128x128xf32, #tpu.memory_space<vmem>>) offsets(%dma_start3A_1320 : memref<128xi32, #tpu.memory_space<vmem>>) semaphore(%dma_start3A_1325 : memref<!tpu.dma_semaphore, #tpu.memory_space<semaphore_mem>>)
      } else {
      }
      %add3A_1154 = arith.constant 1 : i32
      %add3A_1155 = arith.addi %scan3A_1116, %add3A_1154 : i32
      %eq3A = arith.constant 6 : i32
      %eq3A_1156 = arith.cmpi eq, %add3A_1155, %eq3A : i32
      %select_n3A = arith.constant 0 : i32
      %select_n3A_1157 = arith.select %eq3A_1156, %select_n3A, %add3A_1155 : i32
      scf.yield %select_n3A_1157 : i32
    }
    %scan3A_1007 = arith.constant 50 : i32
    %dma_wait3A = arith.constant 0 : i32
    %dma_wait3A_1008 = arith.constant 0 : i32
    %dma_wait3A_1009 = arith.constant 0 : i32
    %dma_wait3A_1010 = arith.constant 0 : i32
    %dma_wait3A_1011 = tpu.memref_slice %arg6[%dma_wait3A, %dma_wait3A_1009, %dma_wait3A_1010] : memref<6x128x128xf32, #tpu.memory_space<vmem>> -> memref<1x128x128xf32, #tpu.memory_space<vmem>>
    %dma_wait3A_1012 = tpu.memref_squeeze %dma_wait3A_1011 : memref<1x128x128xf32, #tpu.memory_space<vmem>> -> memref<128x128xf32, #tpu.memory_space<vmem>>
    %dma_wait3A_1013 = arith.constant 0 : i32
    %dma_wait3A_1014 = arith.constant 0 : i32
    %dma_wait3A_1015 = tpu.memref_slice %arg4[%dma_wait3A_1013, %dma_wait3A_1014] : memref<204800x128xf32, #tpu.memory_space<hbm>> -> memref<128x128xf32, #tpu.memory_space<hbm>>
    %dma_wait3A_1016 = tpu.memref_slice %arg8[%dma_wait3A_1008] : memref<6x!tpu.dma_semaphore, #tpu.memory_space<semaphore_mem>> -> memref<1x!tpu.dma_semaphore, #tpu.memory_space<semaphore_mem>>
    %dma_wait3A_1017 = tpu.memref_squeeze %dma_wait3A_1016 : memref<1x!tpu.dma_semaphore, #tpu.memory_space<semaphore_mem>> -> memref<!tpu.dma_semaphore, #tpu.memory_space<semaphore_mem>>
    %dma_wait3A_1018 = arith.constant 0 : i32
    %dma_wait3A_1019 = arith.constant 0 : i32
    %dma_wait3A_1020 = tpu.memref_slice %arg4[%dma_wait3A_1018, %dma_wait3A_1019] : memref<204800x128xf32, #tpu.memory_space<hbm>> -> memref<128x128xf32, #tpu.memory_space<hbm>>
    %dma_wait3A_1021 = arith.constant 0 : i32
    %dma_wait3A_1022 = arith.constant 0 : i32
    %dma_wait3A_1023 = tpu.memref_slice %arg6[%dma_wait3A, %dma_wait3A_1021, %dma_wait3A_1022] : memref<6x128x128xf32, #tpu.memory_space<vmem>> -> memref<1x128x128xf32, #tpu.memory_space<vmem>>
    %dma_wait3A_1024 = tpu.memref_squeeze %dma_wait3A_1023 : memref<1x128x128xf32, #tpu.memory_space<vmem>> -> memref<128x128xf32, #tpu.memory_space<vmem>>
    tpu.wait_dma2 semaphore(%dma_wait3A_1017 : memref<!tpu.dma_semaphore, #tpu.memory_space<semaphore_mem>>) src(%dma_wait3A_1024 : memref<128x128xf32, #tpu.memory_space<vmem>>) dst(%dma_wait3A_1020 : memref<128x128xf32, #tpu.memory_space<hbm>>)
    %dma_wait3A_1025 = arith.constant 1 : i32
    %dma_wait3A_1026 = arith.constant 1 : i32
    %dma_wait3A_1027 = arith.constant 0 : i32
    %dma_wait3A_1028 = arith.constant 0 : i32
    %dma_wait3A_1029 = tpu.memref_slice %arg6[%dma_wait3A_1025, %dma_wait3A_1027, %dma_wait3A_1028] : memref<6x128x128xf32, #tpu.memory_space<vmem>> -> memref<1x128x128xf32, #tpu.memory_space<vmem>>
    %dma_wait3A_1030 = tpu.memref_squeeze %dma_wait3A_1029 : memref<1x128x128xf32, #tpu.memory_space<vmem>> -> memref<128x128xf32, #tpu.memory_space<vmem>>
    %dma_wait3A_1031 = arith.constant 0 : i32
    %dma_wait3A_1032 = arith.constant 0 : i32
    %dma_wait3A_1033 = tpu.memref_slice %arg4[%dma_wait3A_1031, %dma_wait3A_1032] : memref<204800x128xf32, #tpu.memory_space<hbm>> -> memref<128x128xf32, #tpu.memory_space<hbm>>
    %dma_wait3A_1034 = tpu.memref_slice %arg8[%dma_wait3A_1026] : memref<6x!tpu.dma_semaphore, #tpu.memory_space<semaphore_mem>> -> memref<1x!tpu.dma_semaphore, #tpu.memory_space<semaphore_mem>>
    %dma_wait3A_1035 = tpu.memref_squeeze %dma_wait3A_1034 : memref<1x!tpu.dma_semaphore, #tpu.memory_space<semaphore_mem>> -> memref<!tpu.dma_semaphore, #tpu.memory_space<semaphore_mem>>
    %dma_wait3A_1036 = arith.constant 0 : i32
    %dma_wait3A_1037 = arith.constant 0 : i32
    %dma_wait3A_1038 = tpu.memref_slice %arg4[%dma_wait3A_1036, %dma_wait3A_1037] : memref<204800x128xf32, #tpu.memory_space<hbm>> -> memref<128x128xf32, #tpu.memory_space<hbm>>
    %dma_wait3A_1039 = arith.constant 0 : i32
    %dma_wait3A_1040 = arith.constant 0 : i32
    %dma_wait3A_1041 = tpu.memref_slice %arg6[%dma_wait3A_1025, %dma_wait3A_1039, %dma_wait3A_1040] : memref<6x128x128xf32, #tpu.memory_space<vmem>> -> memref<1x128x128xf32, #tpu.memory_space<vmem>>
    %dma_wait3A_1042 = tpu.memref_squeeze %dma_wait3A_1041 : memref<1x128x128xf32, #tpu.memory_space<vmem>> -> memref<128x128xf32, #tpu.memory_space<vmem>>
    tpu.wait_dma2 semaphore(%dma_wait3A_1035 : memref<!tpu.dma_semaphore, #tpu.memory_space<semaphore_mem>>) src(%dma_wait3A_1042 : memref<128x128xf32, #tpu.memory_space<vmem>>) dst(%dma_wait3A_1038 : memref<128x128xf32, #tpu.memory_space<hbm>>)
    %dma_wait3A_1043 = arith.constant 2 : i32
    %dma_wait3A_1044 = arith.constant 2 : i32
    %dma_wait3A_1045 = arith.constant 0 : i32
    %dma_wait3A_1046 = arith.constant 0 : i32
    %dma_wait3A_1047 = tpu.memref_slice %arg6[%dma_wait3A_1043, %dma_wait3A_1045, %dma_wait3A_1046] : memref<6x128x128xf32, #tpu.memory_space<vmem>> -> memref<1x128x128xf32, #tpu.memory_space<vmem>>
    %dma_wait3A_1048 = tpu.memref_squeeze %dma_wait3A_1047 : memref<1x128x128xf32, #tpu.memory_space<vmem>> -> memref<128x128xf32, #tpu.memory_space<vmem>>
    %dma_wait3A_1049 = arith.constant 0 : i32
    %dma_wait3A_1050 = arith.constant 0 : i32
    %dma_wait3A_1051 = tpu.memref_slice %arg4[%dma_wait3A_1049, %dma_wait3A_1050] : memref<204800x128xf32, #tpu.memory_space<hbm>> -> memref<128x128xf32, #tpu.memory_space<hbm>>
    %dma_wait3A_1052 = tpu.memref_slice %arg8[%dma_wait3A_1044] : memref<6x!tpu.dma_semaphore, #tpu.memory_space<semaphore_mem>> -> memref<1x!tpu.dma_semaphore, #tpu.memory_space<semaphore_mem>>
    %dma_wait3A_1053 = tpu.memref_squeeze %dma_wait3A_1052 : memref<1x!tpu.dma_semaphore, #tpu.memory_space<semaphore_mem>> -> memref<!tpu.dma_semaphore, #tpu.memory_space<semaphore_mem>>
    %dma_wait3A_1054 = arith.constant 0 : i32
    %dma_wait3A_1055 = arith.constant 0 : i32
    %dma_wait3A_1056 = tpu.memref_slice %arg4[%dma_wait3A_1054, %dma_wait3A_1055] : memref<204800x128xf32, #tpu.memory_space<hbm>> -> memref<128x128xf32, #tpu.memory_space<hbm>>
    %dma_wait3A_1057 = arith.constant 0 : i32
    %dma_wait3A_1058 = arith.constant 0 : i32
    %dma_wait3A_1059 = tpu.memref_slice %arg6[%dma_wait3A_1043, %dma_wait3A_1057, %dma_wait3A_1058] : memref<6x128x128xf32, #tpu.memory_space<vmem>> -> memref<1x128x128xf32, #tpu.memory_space<vmem>>
    %dma_wait3A_1060 = tpu.memref_squeeze %dma_wait3A_1059 : memref<1x128x128xf32, #tpu.memory_space<vmem>> -> memref<128x128xf32, #tpu.memory_space<vmem>>
    tpu.wait_dma2 semaphore(%dma_wait3A_1053 : memref<!tpu.dma_semaphore, #tpu.memory_space<semaphore_mem>>) src(%dma_wait3A_1060 : memref<128x128xf32, #tpu.memory_space<vmem>>) dst(%dma_wait3A_1056 : memref<128x128xf32, #tpu.memory_space<hbm>>)
    %dma_wait3A_1061 = arith.constant 3 : i32
    %dma_wait3A_1062 = arith.constant 3 : i32
    %dma_wait3A_1063 = arith.constant 0 : i32
    %dma_wait3A_1064 = arith.constant 0 : i32
    %dma_wait3A_1065 = tpu.memref_slice %arg6[%dma_wait3A_1061, %dma_wait3A_1063, %dma_wait3A_1064] : memref<6x128x128xf32, #tpu.memory_space<vmem>> -> memref<1x128x128xf32, #tpu.memory_space<vmem>>
    %dma_wait3A_1066 = tpu.memref_squeeze %dma_wait3A_1065 : memref<1x128x128xf32, #tpu.memory_space<vmem>> -> memref<128x128xf32, #tpu.memory_space<vmem>>
    %dma_wait3A_1067 = arith.constant 0 : i32
    %dma_wait3A_1068 = arith.constant 0 : i32
    %dma_wait3A_1069 = tpu.memref_slice %arg4[%dma_wait3A_1067, %dma_wait3A_1068] : memref<204800x128xf32, #tpu.memory_space<hbm>> -> memref<128x128xf32, #tpu.memory_space<hbm>>
    %dma_wait3A_1070 = tpu.memref_slice %arg8[%dma_wait3A_1062] : memref<6x!tpu.dma_semaphore, #tpu.memory_space<semaphore_mem>> -> memref<1x!tpu.dma_semaphore, #tpu.memory_space<semaphore_mem>>
    %dma_wait3A_1071 = tpu.memref_squeeze %dma_wait3A_1070 : memref<1x!tpu.dma_semaphore, #tpu.memory_space<semaphore_mem>> -> memref<!tpu.dma_semaphore, #tpu.memory_space<semaphore_mem>>
    %dma_wait3A_1072 = arith.constant 0 : i32
    %dma_wait3A_1073 = arith.constant 0 : i32
    %dma_wait3A_1074 = tpu.memref_slice %arg4[%dma_wait3A_1072, %dma_wait3A_1073] : memref<204800x128xf32, #tpu.memory_space<hbm>> -> memref<128x128xf32, #tpu.memory_space<hbm>>
    %dma_wait3A_1075 = arith.constant 0 : i32
    %dma_wait3A_1076 = arith.constant 0 : i32
    %dma_wait3A_1077 = tpu.memref_slice %arg6[%dma_wait3A_1061, %dma_wait3A_1075, %dma_wait3A_1076] : memref<6x128x128xf32, #tpu.memory_space<vmem>> -> memref<1x128x128xf32, #tpu.memory_space<vmem>>
    %dma_wait3A_1078 = tpu.memref_squeeze %dma_wait3A_1077 : memref<1x128x128xf32, #tpu.memory_space<vmem>> -> memref<128x128xf32, #tpu.memory_space<vmem>>
    tpu.wait_dma2 semaphore(%dma_wait3A_1071 : memref<!tpu.dma_semaphore, #tpu.memory_space<semaphore_mem>>) src(%dma_wait3A_1078 : memref<128x128xf32, #tpu.memory_space<vmem>>) dst(%dma_wait3A_1074 : memref<128x128xf32, #tpu.memory_space<hbm>>)
    %dma_wait3A_1079 = arith.constant 4 : i32
    %dma_wait3A_1080 = arith.constant 4 : i32
    %dma_wait3A_1081 = arith.constant 0 : i32
    %dma_wait3A_1082 = arith.constant 0 : i32
    %dma_wait3A_1083 = tpu.memref_slice %arg6[%dma_wait3A_1079, %dma_wait3A_1081, %dma_wait3A_1082] : memref<6x128x128xf32, #tpu.memory_space<vmem>> -> memref<1x128x128xf32, #tpu.memory_space<vmem>>
    %dma_wait3A_1084 = tpu.memref_squeeze %dma_wait3A_1083 : memref<1x128x128xf32, #tpu.memory_space<vmem>> -> memref<128x128xf32, #tpu.memory_space<vmem>>
    %dma_wait3A_1085 = arith.constant 0 : i32
    %dma_wait3A_1086 = arith.constant 0 : i32
    %dma_wait3A_1087 = tpu.memref_slice %arg4[%dma_wait3A_1085, %dma_wait3A_1086] : memref<204800x128xf32, #tpu.memory_space<hbm>> -> memref<128x128xf32, #tpu.memory_space<hbm>>
    %dma_wait3A_1088 = tpu.memref_slice %arg8[%dma_wait3A_1080] : memref<6x!tpu.dma_semaphore, #tpu.memory_space<semaphore_mem>> -> memref<1x!tpu.dma_semaphore, #tpu.memory_space<semaphore_mem>>
    %dma_wait3A_1089 = tpu.memref_squeeze %dma_wait3A_1088 : memref<1x!tpu.dma_semaphore, #tpu.memory_space<semaphore_mem>> -> memref<!tpu.dma_semaphore, #tpu.memory_space<semaphore_mem>>
    %dma_wait3A_1090 = arith.constant 0 : i32
    %dma_wait3A_1091 = arith.constant 0 : i32
    %dma_wait3A_1092 = tpu.memref_slice %arg4[%dma_wait3A_1090, %dma_wait3A_1091] : memref<204800x128xf32, #tpu.memory_space<hbm>> -> memref<128x128xf32, #tpu.memory_space<hbm>>
    %dma_wait3A_1093 = arith.constant 0 : i32
    %dma_wait3A_1094 = arith.constant 0 : i32
    %dma_wait3A_1095 = tpu.memref_slice %arg6[%dma_wait3A_1079, %dma_wait3A_1093, %dma_wait3A_1094] : memref<6x128x128xf32, #tpu.memory_space<vmem>> -> memref<1x128x128xf32, #tpu.memory_space<vmem>>
    %dma_wait3A_1096 = tpu.memref_squeeze %dma_wait3A_1095 : memref<1x128x128xf32, #tpu.memory_space<vmem>> -> memref<128x128xf32, #tpu.memory_space<vmem>>
    tpu.wait_dma2 semaphore(%dma_wait3A_1089 : memref<!tpu.dma_semaphore, #tpu.memory_space<semaphore_mem>>) src(%dma_wait3A_1096 : memref<128x128xf32, #tpu.memory_space<vmem>>) dst(%dma_wait3A_1092 : memref<128x128xf32, #tpu.memory_space<hbm>>)
    %dma_wait3A_1097 = arith.constant 5 : i32
    %dma_wait3A_1098 = arith.constant 5 : i32
    %dma_wait3A_1099 = arith.constant 0 : i32
    %dma_wait3A_1100 = arith.constant 0 : i32
    %dma_wait3A_1101 = tpu.memref_slice %arg6[%dma_wait3A_1097, %dma_wait3A_1099, %dma_wait3A_1100] : memref<6x128x128xf32, #tpu.memory_space<vmem>> -> memref<1x128x128xf32, #tpu.memory_space<vmem>>
    %dma_wait3A_1102 = tpu.memref_squeeze %dma_wait3A_1101 : memref<1x128x128xf32, #tpu.memory_space<vmem>> -> memref<128x128xf32, #tpu.memory_space<vmem>>
    %dma_wait3A_1103 = arith.constant 0 : i32
    %dma_wait3A_1104 = arith.constant 0 : i32
    %dma_wait3A_1105 = tpu.memref_slice %arg4[%dma_wait3A_1103, %dma_wait3A_1104] : memref<204800x128xf32, #tpu.memory_space<hbm>> -> memref<128x128xf32, #tpu.memory_space<hbm>>
    %dma_wait3A_1106 = tpu.memref_slice %arg8[%dma_wait3A_1098] : memref<6x!tpu.dma_semaphore, #tpu.memory_space<semaphore_mem>> -> memref<1x!tpu.dma_semaphore, #tpu.memory_space<semaphore_mem>>
    %dma_wait3A_1107 = tpu.memref_squeeze %dma_wait3A_1106 : memref<1x!tpu.dma_semaphore, #tpu.memory_space<semaphore_mem>> -> memref<!tpu.dma_semaphore, #tpu.memory_space<semaphore_mem>>
    %dma_wait3A_1108 = arith.constant 0 : i32
    %dma_wait3A_1109 = arith.constant 0 : i32
    %dma_wait3A_1110 = tpu.memref_slice %arg4[%dma_wait3A_1108, %dma_wait3A_1109] : memref<204800x128xf32, #tpu.memory_space<hbm>> -> memref<128x128xf32, #tpu.memory_space<hbm>>
    %dma_wait3A_1111 = arith.constant 0 : i32
    %dma_wait3A_1112 = arith.constant 0 : i32
    %dma_wait3A_1113 = tpu.memref_slice %arg6[%dma_wait3A_1097, %dma_wait3A_1111, %dma_wait3A_1112] : memref<6x128x128xf32, #tpu.memory_space<vmem>> -> memref<1x128x128xf32, #tpu.memory_space<vmem>>
    %dma_wait3A_1114 = tpu.memref_squeeze %dma_wait3A_1113 : memref<1x128x128xf32, #tpu.memory_space<vmem>> -> memref<128x128xf32, #tpu.memory_space<vmem>>
    tpu.wait_dma2 semaphore(%dma_wait3A_1107 : memref<!tpu.dma_semaphore, #tpu.memory_space<semaphore_mem>>) src(%dma_wait3A_1114 : memref<128x128xf32, #tpu.memory_space<vmem>>) dst(%dma_wait3A_1110 : memref<128x128xf32, #tpu.memory_space<hbm>>)
    return
  }
}

</mosaic_0001>

<sc_bundles>
// kernel: kernel.3.cloned.1.call-start
scs
__scs_entry_jumppad:
0x0: {  	(pc) =	sbr.rel $0x88, $3  }
0x1: {  	(tag) =	ssettag $0x0;
	lr =	simm.s32 $0x1  }
0x2: {  	[smem:$0x3F9F] =	sst lr;
	_ =	strace $0xD0000000  }
0x3: {  	_ = 	snop  }
0x4: {  	_ = 	snop  }
0x5: {  	_ = 	snop  }
0x6: {  	_ = 	snop  }
0x7: {  	_ = 	snop  }
__scs_overlays_trampoline_lowered:
0x8: {  	[smem:$0x3FAE] =	sst s0  }
0x9: {  	[smem:$0x3FAF] =	sst s1  }
0xa: {  	[smem:$0x3FB0] =	sst s2  }
0xb: {  	[smem:$0x3FB1] =	sst s3  }
0xc: {  	[smem:$0x3FB2] =	sst s4  }
0xd: {  	[smem:$0x3FB3] =	sst s5  }
0xe: {  	[smem:$0x3FB4] =	sst s6  }
0xf: {  	[smem:$0x3FB5] =	sst s7  }
0x10: {  	[smem:$0x3FB6] =	sst s8  }
0x11: {  	[smem:$0x3FB7] =	sst s9;
	s0 =	simm.s32 @!p0 $0x0  }
0x12: {  	s1 =	sld [smem:$0x3F9D];
	s0 =	simm.s32 @p0 $0x1  }
0x13: {  	[smem:$0x3FB8] =	sst s0;
	s0 =	simm.s32 @!p1 $0x0  }
0x14: {  	s2 =	sld [smem:$0x3F9C];
	s0 =	simm.s32 @p1 $0x1  }
0x15: {  	[smem:$0x3FB9] =	sst s0;
	s0 =	simm.s32 @!p2 $0x0  }
0x16: {  	s3 =	sld [smem:$0x3FDB];
	s0 =	simm.s32 @p2 $0x1  }
0x17: {  	s4 =	simm.s32 $0x1BF5;
	[smem:$0x3FBB] =	sst s0  }
0x18: {  	s0 =	sld [smem:$0x3F9E];
	_ =	swait.ge [sflag:s4], $0x0  }
0x19: {  	s7 =	sld [smem:$0x3F9F]  }
0x1a: {  	s8 =	sadd.s32 $0xFFFFE003, lr  }
0x1b: {  	s9 =	sadd.s32 $0xFFFFFEF7, lr;
	s5 =	simm.s32 $0xFFFFFFFF;
	p2 =	slt.u32 s8, $0xFFFFF086  }
0x1c: {  	p1 =	slt.u32 s9, $0xF7A;
	s5 =	simm.s32 @!p2 $0x0  }
0x1d: {  	s5 =	simm.s32 @p1 $0x1;
	p0 =	seq.s32 s7, s2  }
0x1e: {  	s7 =	smul.u32 @!p0 $0xF7A, s2;
	p2 =	seq.s32 @!p0 s5, $0x0  }
0x1f: {  	s9 =	smul.u32 $0xF7A, s1;
	s8 =	simm.s32 @!p0 $0x1BF5;
	p2 =	por !p2, p0  }
0x20: {  	[sflag:s8] =	ssyncset.s32 @!p0 $0xFFFFF086;
	s6 =	sadd.s32 @!p0 s3, s7;
	s7 =	simm.s32 @!p0 $0x108  }
0x21: {  	s3 =	sadd.s32 s3, s9;
	s6 =	sadd.s32 @!p0 $0x88, s6;
	s7 =	simm.s32 @p2 $0x1082  }
0x22: {  	[simem:s7], [sflag:s8] =	dma.local @!p0 [hbm:s6], $0xF7A  }
0x23: {  	s9 =	sor.u32 $0xD0000000, s2;
	s6 =	simm.s32 $0x108;
	_ =	swait.ge @!p0 [sflag:s8], $0x0  }
0x24: {  	s3 =	sadd.s32 $0x88, s3;
	s6 =	simm.s32 @!p1 $0x1082;
	[sflag:s4] =	ssyncset.s32 $0xFFFFF086  }
0x25: {  	[simem:s6], [sflag:s4] =	dma.local [hbm:s3], $0xF7A  }
0x26: {  	[smem:$0x3F9F] =	sst s1;
	(tag) =	ssettag s2;
	_ =	strace s9  }
0x27: {  	s1 =	sld [smem:$0x3FAF]  }
0x28: {  	s2 =	sld [smem:$0x3FB0]  }
0x29: {  	s4 =	sld [smem:$0x3FB2]  }
0x2a: {  	p0 =	seq.s32 s5, $0x0;
	s5 =	sld [smem:$0x3FB3]  }
0x2b: {  	s6 =	sld [smem:$0x3FB4]  }
0x2c: {  	s7 =	sld [smem:$0x3FB5]  }
0x2d: {  	s3 =	simm.s32 $0x108;
	s8 =	sld [smem:$0x3FB6]  }
0x2e: {  	s3 =	simm.s32 @!p0 $0x1082;
	s9 =	sld [smem:$0x3FB7]  }
0x2f: {  	lr =	sadd.s32 s0, s3;
	s0 =	sld [smem:$0x3FAE]  }
0x30: {  	s3 =	sld [smem:$0x3FB1]  }
0x31: {  	[smem:$0x3FBA] =	sst s10  }
0x32: {  	s10 =	sld [smem:$0x3FB8];
	_ =	sdelay $0x3  }
0x33: {  	p0 =	seq.s32 s10, $0x1;
	s10 =	sld [smem:$0x3FBA];
	_ =	sdelay $0x3  }
0x34: {  	[smem:$0x3FBA] =	sst s10  }
0x35: {  	s10 =	sld [smem:$0x3FB9];
	_ =	sdelay $0x3  }
0x36: {  	p1 =	seq.s32 s10, $0x1;
	s10 =	sld [smem:$0x3FBA];
	_ =	sdelay $0x3  }
0x37: {  	[smem:$0x3FBA] =	sst s10  }
0x38: {  	s10 =	sld [smem:$0x3FBB]  }
0x39: {  	_ = 	snop;
	(pc) =	sbr.ind lr, $3  }
0x3a: {  	_ = 	snop  }
0x3b: {  	_ = 	snop  }
0x3c: {  	p2 =	seq.s32 s10, $0x1;
	s10 =	sld [smem:$0x3FBA]  }
0x3d: {  	_ =	shalt  }
0x3e: {  	_ =	shalt  }
0x3f: {  	_ =	shalt  }
0x40: {  	_ =	shalt  }
0x41: {  	_ =	shalt  }
0x42: {  	_ =	shalt  }
0x43: {  	_ =	shalt  }
0x44: {  	_ =	shalt  }
0x45: {  	_ =	shalt  }
0x46: {  	_ =	shalt  }
0x47: {  	_ =	shalt  }
0x48: {  	_ =	shalt  }
0x49: {  	_ =	shalt  }
0x4a: {  	_ =	shalt  }
0x4b: {  	_ =	shalt  }
0x4c: {  	_ =	shalt  }
0x4d: {  	_ =	shalt  }
0x4e: {  	_ =	shalt  }
0x4f: {  	_ =	shalt  }
0x50: {  	_ =	shalt  }
0x51: {  	_ =	shalt  }
0x52: {  	_ =	shalt  }
0x53: {  	_ =	shalt  }
0x54: {  	_ =	shalt  }
0x55: {  	_ =	shalt  }
0x56: {  	_ =	shalt  }
0x57: {  	_ =	shalt  }
0x58: {  	_ =	shalt  }
0x59: {  	_ =	shalt  }
0x5a: {  	_ =	shalt  }
0x5b: {  	_ =	shalt  }
0x5c: {  	_ =	shalt  }
0x5d: {  	_ =	shalt  }
0x5e: {  	_ =	shalt  }
0x5f: {  	_ =	shalt  }
0x60: {  	_ =	shalt  }
0x61: {  	_ =	shalt  }
0x62: {  	_ =	shalt  }
0x63: {  	_ =	shalt  }
0x64: {  	_ =	shalt  }
0x65: {  	_ =	shalt  }
0x66: {  	_ =	shalt  }
0x67: {  	_ =	shalt  }
0x68: {  	_ =	shalt  }
0x69: {  	_ =	shalt  }
0x6a: {  	_ =	shalt  }
0x6b: {  	_ =	shalt  }
0x6c: {  	_ =	shalt  }
0x6d: {  	_ =	shalt  }
0x6e: {  	_ =	shalt  }
0x6f: {  	_ =	shalt  }
0x70: {  	_ =	shalt  }
0x71: {  	_ =	shalt  }
0x72: {  	_ =	shalt  }
0x73: {  	_ =	shalt  }
0x74: {  	_ =	shalt  }
0x75: {  	_ =	shalt  }
0x76: {  	_ =	shalt  }
0x77: {  	_ =	shalt  }
0x78: {  	_ =	shalt  }
0x79: {  	_ =	shalt  }
0x7a: {  	_ =	shalt  }
0x7b: {  	_ =	shalt  }
0x7c: {  	_ =	shalt  }
0x7d: {  	_ =	shalt  }
0x7e: {  	_ =	shalt  }
0x7f: {  	_ =	shalt  }
0x80: {  	_ =	shalt  }
0x81: {  	_ =	shalt  }
0x82: {  	_ =	shalt  }
0x83: {  	_ =	shalt  }
0x84: {  	_ =	shalt  }
0x85: {  	_ =	shalt  }
0x86: {  	_ =	shalt  }
0x87: {  	_ =	shalt  }
.Lfunc_end0:
.L_simem_size_0:
called_computation_lowered:
.L_overlay_start_0:
0x88: {  	s2 =	sld [smem:$0x3FD9]  }
0x89: {  	s3 =	sld [smem:$0x3FFE];
	_ =	sdelay $0x1  }
0x8a: {  	s1 =	srdreg.scid  }
0x8b: {  	s0 =	sand.u32 $0x1, s1  }
0x8c: {  	s17 =	sshll.u32 s0, $0xA;
	s2 =	sadd.s32 s3, s2  }
0x8d: {  	s2 =	sadd.s32 s2, s17  }
0x8e: {  	[smem:$0x3FC6] =	sst s2  }
0x8f: {  	_ = 	snop  }
0x90: {  	s2 =	sld [smem:$0x3FC9]  }
0x91: {  	s18 =	sld [smem:$0x3FD0];
	(tm) =	ssettm $0x1  }
0x92: {  	s4 =	sld [smem:$0x3FFB];
	_ =	sdelay $0x3  }
0x93: {  	_ =	strace s4  }
0x94: {  	s4 =	sld [smem:$0x3FFC];
	_ =	sdelay $0x3  }
0x95: {  	_ =	strace s4  }
0x96: {  	s4 =	sld [smem:$0x3FFD];
	_ =	sdelay $0x3  }
0x97: {  	_ =	strace s4  }
0x98: {  	_ =	strace $0x8FFFFFFF  }
0x99: {  	s19 =	sld [smem:$0x3FDB];
	_ =	sdelay $0x1  }
0x9a: {  	s5 =	simm.s32 $_scs_section_size  }
0x9b: {  	s6 =	simm.s32 $_size__tile_overlayer_lowered;
	s7 =	simm.s32 $_tile_overlayer_lowered  }
0x9c: {  	s22 =	simm.s32 $0x1BFF;
	s21 =	sshll.u32 s7, $0x1;
	s4 =	sadd.s32 s5, s19  }
0x9d: {  	s8 =	simm.s32 $0x0;
	s20 =	sshll.u32 s6, $0x1;
	s6 =	sadd.s32 s21, s4  }
0x9e: {  	[timem:s8], [sflag:s22] =	dma.local [hbm:s6], s20  }
0x9f: {  	_ =	swait.ge [sflag:s22], s20  }
0xa0: {  	s5 =	ssub.s32 $0x0, s20;
	[sflag:s22] =	ssyncset.done $0x0  }
0xa1: {  	[sflag:s22] =	ssyncadd.s32 s5;
	_ =	sdelay $0x1  }
0xa2: {  	s23 =	simm.s32 $0x1B8B  }
0xa3: {  	_ =	swait.ge [sflag:s23], $0x1  }
0xa4: {  	[sflag:s23] =	ssyncset.done $0x0  }
0xa5: {  	s25 =	simm.s32 $0x1B8E;
	s24 =	sld [smem:$0x3FFE];
	[sflag:s23] =	ssyncadd.s32 $0xFFFFFFFF  }
0xa6: {  	s26 =	simm.s32 $execute0_lowered;
	[smem:$0x3FD2] =	sst s25  }
0xa7: {  	s6 =	sshll.u32 s26, $0x1;
	_ =	strace $0x80000046;
	[dreg:$0x1] =	wrdreg $0xFFFFFFFF  }
0xa8: {  	s28 =	simm.s32 $_size_execute0_lowered;
	s4 =	sadd.s32 s4, s6;
	[dreg:$0x0] =	wrdreg $0x0  }
0xa9: {  	s6 =	sshll.u32 s28, $0x1;
	[dreg:$0x2] =	wrdreg s4  }
0xaa: {  	[dreg:$0x3] =	wrdreg s6  }
0xab: {  	[dreg:$0x4] =	wrdreg $0xC0  }
0xac: {  	_ =	task [dreg:s8], $0x5FFFF  }
0xad: {  	[dreg:$0x1] =	wrdreg $0xFFFFFFFF  }
0xae: {  	[dreg:$0x0] =	wrdreg $0x60  }
0xaf: {  	[dreg:$0x2] =	wrdreg s2  }
0xb0: {  	[dreg:$0x3] =	wrdreg s24  }
0xb1: {  	[dreg:$0x4] =	wrdreg s18  }
0xb2: {  	[dreg:$0x5] =	wrdreg $0x9  }
0xb3: {  	_ =	task.clear_ibuf [dreg:s8], $0x6FFFF;
	_ =	strace $0x90000046  }
0xb4: {  	s29 =	simm.s32 $0x9;
	_ =	strace $0x80000048  }
0xb5: {  	_ =	swait.ge [sflag:s29], $0x1  }
0xb6: {  	[sflag:s29] =	ssyncadd.s32 $0xFFFFFFFF  }
0xb7: {  	_ =	strace $0x90000048  }
0xb8: {  	_ =	sfence  }
0xb9: {  	s30 =	sld [smem:$0x0];
	_ =	sdelay $0x2  }
0xba: {  	s31 =	sshll.u32 s1, $0xD;
	s1 =	sshrl.u32 s1, $0x2  }
0xbb: {  	s3 =	sand.u32 $0x4000, s31;
	s1 =	sadd.s32 s1, s30  }
0xbc: {  	s0 =	sor.u32 s3, s0;
	s1 =	sshll.u32 s1, $0x11  }
0xbd: {  	s0 =	sor.u32 s1, s0  }
0xbe: {  	s0 =	sadd.s32 $0x8F2B, s0  }
0xbf: {  	[sflag:s0] =	ssyncadd.remote.s32 $0x1  }
0xc0: {  	_ =	sfence.sel $0xFFFF  }
0xc1: {  	[dreg:$0x0] =	wrdreg $0xFFFFFFFF;
	(pc) =	sbr.abs _section_cstart, $3  }
0xc2: {  	[dreg:$0x1] =	wrdreg $0xFFFFFFFF  }
0xc3: {  	_ =	task.clear_ibuf [dreg:s8], $0x2FFFF;
	_ =	strace $0x9FFFFFFF  }
0xc4: {  	(tm) =	ssettm $0x7FFFFFFF  }
0xc5: {  	_ =	shalt  }
tec
execute0_lowered:
.L_overlay_start_1:
0x0: {  	(tag) =	ssettag $0x1  }
0x1: {  	s0 =	srdreg.scid;
	s11 =	stileid.u32  }
0x2: {  	s0 =	sand.u32 $0x1, s0;
	s3 =	sshll.u32 s11, $0x1  }
0x3: {  	s4 =	sor.u32 s0, s3  }
0x4: {  	s1 =	rddreg [dreg:$0x0];
	s6 =	sshll.u32 s4, $0x7  }
0x5: {  	s2 =	rddreg [dreg:$0x1];
	v3 =	vlaneseq.u32;
	s8 =	sor.u32 $0x10, s6;
	v0 =	vmov s6  }
0x6: {  	v7 =	vmul.u32 $0xC8, v3;
	s25 =	sor.u32 $0x20, s6;
	s26 =	sor.u32 $0x30, s6;
	s28 =	sor.u32 $0x40, s6;
	v1 =	vmov s8;
	v0 =	vmul.u32 $0xC8, v0  }
0x7: {  	s29 =	sor.u32 $0x50, s6;
	s10 =	sor.u32 $0x60, s6;
	s30 =	sor.u32 $0x70, s6;
	v2 =	vmov s25;
	v3 =	vmov s26;
	v4 =	vmov s28  }
0x8: {  	s5 =	rddreg [dreg:$0x2];
	s17 =	simm.s32 $0x280;
	v5 =	vmov s29;
	v6 =	vmov s10;
	v8 =	vmov s30  }
0x9: {  	s18 =	simm.s32 $0x15C00;
	s19 =	simm.s32 $0x7;
	s20 =	simm.s32 $0x8;
	v1 =	vmul.u32 $0xC8, v1;
	v2 =	vmul.u32 $0xC8, v2;
	v3 =	vmul.u32 $0xC8, v3  }
0xa: {  	s21 =	simm.s32 $0x9;
	s22 =	simm.s32 $0xA;
	s23 =	simm.s32 $0xB;
	v4 =	vmul.u32 $0xC8, v4;
	v5 =	vmul.u32 $0xC8, v5;
	v0 =	vbroadcast v0, $0x0  }
0xb: {  	s24 =	simm.s32 $0xC;
	s11 =	sshll.u32 s11, $0xC;
	s3 =	simm.s32 $0x0;
	v6 =	vmul.u32 $0xC8, v6;
	v1 =	vbroadcast v1, $0x0;
	v2 =	vbroadcast v2, $0x0  }
0xc: {  	s7 =	ssub.s32 $0x2, s0;
	s31 =	sadd.s32 s11, s5;
	s0 =	sshll.u32 s0, $0xB;
	v8 =	vmul.u32 $0xC8, v8;
	v3 =	vbroadcast v3, $0x0;
	v4 =	vbroadcast v4, $0x0  }
0xd: {  	s4 =	smul.u32 $0x380, s4;
	[smem:$0x7FF] =	sst s3;
	s9 =	sshrl.u32 s7, $0x1;
	v5 =	vbroadcast v5, $0x0;
	v6 =	vbroadcast v6, $0x0  }
0xe: {  	_ =	strace $0x80000047;
	s7 =	ssub.s32 s7, s9;
	s6 =	sadd.s32 s0, s31;
	v8 =	vbroadcast v8, $0x0;
	v0 =	vadd.s32 v7, v0;
	v1 =	vadd.s32 v7, v1  }
0xf: {  	s2 =	sadd.s32 s4, s2;
	s5 =	smax.u32 s7, $0x1;
	s7 =	simm.s32 $0xD;
	v2 =	vadd.s32 v7, v2;
	v3 =	vadd.s32 v7, v3;
	v4 =	vadd.s32 v7, v4  }
0x10: {  	s8 =	simm.s32 $0x80;
	s25 =	simm.s32 $0x0;
	s4 =	sadd.s32 $0x400, s2;
	v5 =	vadd.s32 v7, v5;
	v6 =	vadd.s32 v7, v6;
	v7 =	vadd.s32 v7, v8  }
.LBB2_1:
0x11: {  	[tilespmem:s3], [sflag:$0xD] =	stream.linear.gather [hbm4b:s4+s3], $0x1900, $0x38;
	[tilespmem:$0x19C00] =	vst v63  }
0x12: {  	_ =	swait.ge [sflag:s7], $0x1900  }
0x13: {  	[sflag:s7] =	ssyncset.done $0x0  }
0x14: {  	[sflag:s7] =	ssyncadd.s32 $0xFFFFE700  }
0x15: {  	v8 =	vld [tilespmem:$0x0]  }
0x16: {  	v9 =	vld [tilespmem:$0x10]  }
0x17: {  	v10 =	vld [tilespmem:$0x20]  }
0x18: {  	v11 =	vld [tilespmem:$0x30]  }
0x19: {  	v12 =	vld [tilespmem:$0x40]  }
0x1a: {  	v13 =	vld [tilespmem:$0x50];
	v8 =	vadd.s32 v0, v8  }
0x1b: {  	[tilespmem:$0x0] =	vst v8;
	v8 =	vadd.s32 v1, v9;
	v9 =	vld [tilespmem:$0x60]  }
0x1c: {  	[tilespmem:$0x10] =	vst v8;
	v8 =	vadd.s32 v2, v10;
	v10 =	vld [tilespmem:$0x70]  }
0x1d: {  	[tilespmem:$0x20] =	vst v8;
	v8 =	vadd.s32 v3, v11  }
0x1e: {  	[tilespmem:$0x30] =	vst v8;
	v8 =	vadd.s32 v4, v12  }
0x1f: {  	[tilespmem:$0x40] =	vst v8;
	v8 =	vadd.s32 v5, v13  }
0x20: {  	[tilespmem:$0x50] =	vst v8;
	v8 =	vadd.s32 v6, v9  }
0x21: {  	[tilespmem:$0x60] =	vst v8;
	v8 =	vadd.s32 v7, v10  }
0x22: {  	s0 =	simm.s32 $0x1C00;
	[tilespmem:$0x70] =	vst v8  }
0x23: {  	[tilespmem:s0], [sflag:$0x1] =	stream.indirect.gather [hbm4b:s1+s8], $0x80, s3, s8, $0xb8;
	[tilespmem:$0x19C00] =	vst v63  }
0x24: {  	v8 =	vld [tilespmem:$0x80]  }
0x25: {  	v9 =	vld [tilespmem:$0x90]  }
0x26: {  	v10 =	vld [tilespmem:$0xA0]  }
0x27: {  	v11 =	vld [tilespmem:$0xB0]  }
0x28: {  	v54 =	vld [tilespmem:$0xC0]  }
0x29: {  	v55 =	vld [tilespmem:$0xD0];
	v8 =	vadd.s32 v0, v8  }
0x2a: {  	[tilespmem:$0x80] =	vst v8;
	v8 =	vadd.s32 v1, v9;
	v9 =	vld [tilespmem:$0xE0]  }
0x2b: {  	[tilespmem:$0x90] =	vst v8;
	v8 =	vadd.s32 v2, v10;
	v10 =	vld [tilespmem:$0xF0]  }
0x2c: {  	[tilespmem:$0xA0] =	vst v8;
	v8 =	vadd.s32 v3, v11  }
0x2d: {  	[tilespmem:$0xB0] =	vst v8;
	v8 =	vadd.s32 v4, v54  }
0x2e: {  	[tilespmem:$0xC0] =	vst v8;
	v8 =	vadd.s32 v5, v55  }
0x2f: {  	[tilespmem:$0xD0] =	vst v8;
	v8 =	vadd.s32 v6, v9  }
0x30: {  	[tilespmem:$0xE0] =	vst v8;
	v8 =	vadd.s32 v7, v10  }
0x31: {  	s10 =	simm.s32 $0x5C00;
	[tilespmem:$0xF0] =	vst v8  }
0x32: {  	[tilespmem:s10], [sflag:$0x2] =	stream.indirect.gather [hbm4b:s1+s8], $0x80, s8, s8, $0xb8;
	[tilespmem:$0x19C00] =	vst v63  }
0x33: {  	v8 =	vld [tilespmem:$0x100]  }
0x34: {  	v9 =	vld [tilespmem:$0x110]  }
0x35: {  	v10 =	vld [tilespmem:$0x120]  }
0x36: {  	v11 =	vld [tilespmem:$0x130]  }
0x37: {  	v56 =	vld [tilespmem:$0x140]  }
0x38: {  	v57 =	vld [tilespmem:$0x150];
	v8 =	vadd.s32 v0, v8  }
0x39: {  	[tilespmem:$0x100] =	vst v8;
	v8 =	vadd.s32 v1, v9;
	v9 =	vld [tilespmem:$0x160]  }
0x3a: {  	[tilespmem:$0x110] =	vst v8;
	v8 =	vadd.s32 v2, v10;
	v10 =	vld [tilespmem:$0x170]  }
0x3b: {  	[tilespmem:$0x120] =	vst v8;
	v8 =	vadd.s32 v3, v11  }
0x3c: {  	[tilespmem:$0x130] =	vst v8;
	v8 =	vadd.s32 v4, v56  }
0x3d: {  	[tilespmem:$0x140] =	vst v8;
	v8 =	vadd.s32 v5, v57  }
0x3e: {  	[tilespmem:$0x150] =	vst v8;
	v8 =	vadd.s32 v6, v9  }
0x3f: {  	[tilespmem:$0x160] =	vst v8;
	v8 =	vadd.s32 v7, v10  }
0x40: {  	s11 =	simm.s32 $0x100;
	s2 =	simm.s32 $0x9C00;
	[tilespmem:$0x170] =	vst v8  }
0x41: {  	[tilespmem:s2], [sflag:$0x3] =	stream.indirect.gather [hbm4b:s1+s8], $0x80, s11, s8, $0xb8;
	[tilespmem:$0x19C00] =	vst v63  }
0x42: {  	v8 =	vld [tilespmem:$0x180]  }
0x43: {  	v9 =	vld [tilespmem:$0x190]  }
0x44: {  	v10 =	vld [tilespmem:$0x1A0]  }
0x45: {  	v11 =	vld [tilespmem:$0x1B0]  }
0x46: {  	v58 =	vld [tilespmem:$0x1C0]  }
0x47: {  	v59 =	vld [tilespmem:$0x1D0];
	v8 =	vadd.s32 v0, v8  }
0x48: {  	[tilespmem:$0x180] =	vst v8;
	v8 =	vadd.s32 v1, v9;
	v9 =	vld [tilespmem:$0x1E0]  }
0x49: {  	[tilespmem:$0x190] =	vst v8;
	v8 =	vadd.s32 v2, v10;
	v10 =	vld [tilespmem:$0x1F0]  }
0x4a: {  	[tilespmem:$0x1A0] =	vst v8;
	v8 =	vadd.s32 v3, v11  }
0x4b: {  	[tilespmem:$0x1B0] =	vst v8;
	v8 =	vadd.s32 v4, v58  }
0x4c: {  	[tilespmem:$0x1C0] =	vst v8;
	v8 =	vadd.s32 v5, v59  }
0x4d: {  	[tilespmem:$0x1D0] =	vst v8;
	v8 =	vadd.s32 v6, v9  }
0x4e: {  	[tilespmem:$0x1E0] =	vst v8;
	v8 =	vadd.s32 v7, v10  }
0x4f: {  	s12 =	simm.s32 $0x180;
	s13 =	simm.s32 $0xDC00;
	[tilespmem:$0x1F0] =	vst v8  }
0x50: {  	[tilespmem:s13], [sflag:$0x4] =	stream.indirect.gather [hbm4b:s1+s8], $0x80, s12, s8, $0xb8;
	[tilespmem:$0x19C00] =	vst v63  }
0x51: {  	v8 =	vld [tilespmem:$0x200]  }
0x52: {  	v9 =	vld [tilespmem:$0x210]  }
0x53: {  	v10 =	vld [tilespmem:$0x220]  }
0x54: {  	v11 =	vld [tilespmem:$0x230]  }
0x55: {  	v60 =	vld [tilespmem:$0x240]  }
0x56: {  	v61 =	vld [tilespmem:$0x250];
	v8 =	vadd.s32 v0, v8  }
0x57: {  	[tilespmem:$0x200] =	vst v8;
	v8 =	vadd.s32 v1, v9;
	v9 =	vld [tilespmem:$0x260]  }
0x58: {  	[tilespmem:$0x210] =	vst v8;
	v8 =	vadd.s32 v2, v10;
	v10 =	vld [tilespmem:$0x270]  }
0x59: {  	[tilespmem:$0x220] =	vst v8;
	v8 =	vadd.s32 v3, v11  }
0x5a: {  	[tilespmem:$0x230] =	vst v8;
	v8 =	vadd.s32 v4, v60  }
0x5b: {  	[tilespmem:$0x240] =	vst v8;
	v8 =	vadd.s32 v5, v61  }
0x5c: {  	[tilespmem:$0x250] =	vst v8;
	v8 =	vadd.s32 v6, v9  }
0x5d: {  	[tilespmem:$0x260] =	vst v8;
	v8 =	vadd.s32 v7, v10  }
0x5e: {  	s14 =	simm.s32 $0x200;
	s15 =	simm.s32 $0x11C00;
	[tilespmem:$0x270] =	vst v8  }
0x5f: {  	[tilespmem:s15], [sflag:$0x5] =	stream.indirect.gather [hbm4b:s1+s8], $0x80, s14, s8, $0xb8;
	[tilespmem:$0x19C00] =	vst v63  }
0x60: {  	v8 =	vld [tilespmem:$0x280]  }
0x61: {  	v9 =	vld [tilespmem:$0x290]  }
0x62: {  	v10 =	vld [tilespmem:$0x2A0]  }
0x63: {  	v11 =	vld [tilespmem:$0x2B0]  }
0x64: {  	v62 =	vld [tilespmem:$0x2C0]  }
0x65: {  	v63 =	vld [tilespmem:$0x2D0];
	v8 =	vadd.s32 v0, v8  }
0x66: {  	[tilespmem:$0x280] =	vst v8;
	v8 =	vadd.s32 v1, v9;
	v9 =	vld [tilespmem:$0x2E0]  }
0x67: {  	[tilespmem:$0x290] =	vst v8;
	v8 =	vadd.s32 v2, v10;
	v10 =	vld [tilespmem:$0x2F0]  }
0x68: {  	[tilespmem:$0x2A0] =	vst v8;
	v8 =	vadd.s32 v3, v11  }
0x69: {  	[tilespmem:$0x2B0] =	vst v8;
	v8 =	vadd.s32 v4, v62  }
0x6a: {  	[tilespmem:$0x2C0] =	vst v8;
	v8 =	vadd.s32 v5, v63  }
0x6b: {  	[tilespmem:$0x2D0] =	vst v8;
	v8 =	vadd.s32 v6, v9  }
0x6c: {  	[tilespmem:$0x2E0] =	vst v8;
	v8 =	vadd.s32 v7, v10  }
0x6d: {  	s30 =	simm.s32 $0x1;
	[tilespmem:$0x2F0] =	vst v8  }
0x6e: {  	[tilespmem:s18], [sflag:$0x6] =	stream.indirect.gather [hbm4b:s1+s8], $0x80, s17, s8, $0xb8;
	[tilespmem:$0x19C00] =	vst v63  }
0x6f: {  	_ =	swait.ge [sflag:s30], $0x4000  }
0x70: {  	s16 =	simm.s32 $0x0;
	p0 =	por $0x0, $0x0;
	[sflag:s30] =	ssyncset.done $0x0  }
0x71: {  	s31 =	sor.u32 $0x1C00, s16;
	s0 =	simm.s32 $0x7;
	[sflag:s30] =	ssyncadd.s32 $0xFFFFC000  }
0x72: {  	[hbm4b:s6+s3] =	stream.linear.scatter [tilespmem:s31], [sflag:s0], $0x4000, $0x38;
	[tilespmem:$0x19C00] =	vst v63  }
0x73: {  	_ =	swait.ge @!p0 [sflag:s0], $0x4000  }
0x74: {  	[sflag:s0] =	ssyncset.done @!p0 $0x0  }
0x75: {  	s10 =	simm.s32 $0x300;
	[sflag:s0] =	ssyncadd.s32 @!p0 $0xFFFFC000  }
0x76: {  	v8 =	vld @!p0 [tilespmem:s10+$0x50]  }
0x77: {  	v9 =	vld @!p0 [tilespmem:s10+$0x10]  }
0x78: {  	v10 =	vld @!p0 [tilespmem:s10+$0x30]  }
0x79: {  	v11 =	vld @!p0 [tilespmem:s10+$0x40]  }
0x7a: {  	v12 =	vld @!p0 [tilespmem:s10+$0x0]  }
0x7b: {  	v13 =	vld @!p0 [tilespmem:s10+$0x20];
	v8 =	vadd.s32 @!p0 v5, v8  }
0x7c: {  	[tilespmem:s10+$0x50] =	vst @!p0 v8;
	v8 =	vadd.s32 @!p0 v1, v9;
	v9 =	vld @!p0 [tilespmem:s10+$0x60]  }
0x7d: {  	p1 =	por $0x0, $0x0;
	[tilespmem:s10+$0x10] =	vst @!p0 v8;
	v8 =	vadd.s32 @!p0 v3, v10;
	v10 =	vld @!p0 [tilespmem:s10+$0x70]  }
0x7e: {  	s29 =	simm.s32 $0x380;
	s2 =	simm.s32 $0x2;
	s0 =	simm.s32 $0x1;
	[tilespmem:s10+$0x30] =	vst @!p0 v8;
	v8 =	vadd.s32 @!p0 v4, v11  }
0x7f: {  	s12 =	simm.s32 @!p0 $0x80;
	s13 =	simm.s32 $0x1;
	s0 =	simm.s32 @p1 $0x0;
	v11 =	vadd.s32 @!p0 v0, v12;
	[tilespmem:s10+$0x40] =	vst @!p0 v8  }
0x80: {  	s26 =	sshll.u32 s0, $0x10;
	s11 =	sadd.s32 $0x1, s0;
	s0 =	sadd.s32 $0x7, s0;
	[tilespmem:s10+$0x0] =	vst @!p0 v11;
	v8 =	vadd.s32 @!p0 v2, v13  }
0x81: {  	s9 =	sshra.s32 s26, $0x2;
	p1 =	seq.s32 s11, $0x6;
	s26 =	smov.u32 s11;
	[tilespmem:s10+$0x20] =	vst @!p0 v8;
	v8 =	vadd.s32 @!p0 v6, v9  }
0x82: {  	s28 =	sor.u32 $0x1C00, s9;
	s26 =	simm.s32 @p1 $0x0;
	s9 =	sadd.s32 $0x10000, s6;
	[tilespmem:s10+$0x60] =	vst @!p0 v8;
	v8 =	vadd.s32 @!p0 v7, v10  }
.LBB2_2:
0x83: {  	s14 =	sshll.u32 s26, $0x10  }
0x84: {  	[tilespmem:s10+$0x70] =	vst @!p0 v8;
	s15 =	smov.u32 s2;
	s2 =	sadd.s32 $0x1, s2;
	s16 =	sadd.s32 $0x7, s26  }
0x85: {  	[tilespmem:s31], [sflag:s30] =	stream.indirect.gather @!p0 [hbm4b:s1+s12], $0x80, s10, s12, $0xb8;
	[tilespmem:$0x19C00] =	vst v63  }
0x86: {  	s10 =	sadd.s32 $0x1, s26;
	p0 =	sgt.u32 s13, $0x2B;
	_ =	swait.ge [sflag:s11], $0x4000  }
0x87: {  	s12 =	sshra.s32 s14, $0x2;
	p1 =	seq.s32 s10, $0x6;
	[sflag:s11] =	ssyncset.done $0x0  }
0x88: {  	s14 =	sor.u32 $0x1C00, s12;
	s26 =	smov.u32 s10;
	[sflag:s11] =	ssyncadd.s32 $0xFFFFC000  }
0x89: {  	[hbm4b:s9+s3] =	stream.linear.scatter [tilespmem:s28], [sflag:s0], $0x4000, $0x38;
	[tilespmem:$0x19C00] =	vst v63  }
0x8a: {  	s12 =	simm.s32 @!p0 $0x80;
	s26 =	simm.s32 @p1 $0x0;
	_ =	swait.ge @!p0 [sflag:s0], $0x4000  }
0x8b: {  	s13 =	smov.u32 s15;
	p1 =	sne.s32 s2, $0x32;
	[sflag:s0] =	ssyncset.done @!p0 $0x0  }
0x8c: {  	s30 =	smov.u32 s11;
	s11 =	smov.u32 s10;
	[sflag:s0] =	ssyncadd.s32 @!p0 $0xFFFFC000  }
0x8d: {  	s31 =	smov.u32 s28;
	s28 =	smov.u32 s14;
	s0 =	smov.u32 s16;
	v8 =	vld @!p0 [tilespmem:s29+$0x50]  }
0x8e: {  	s10 =	smov.u32 s29;
	v9 =	vld @!p0 [tilespmem:s29+$0x10];
	s29 =	sadd.s32 $0x80, s29  }
0x8f: {  	v10 =	vld @!p0 [tilespmem:s10+$0x30]  }
0x90: {  	v11 =	vld @!p0 [tilespmem:s10+$0x40]  }
0x91: {  	v12 =	vld @!p0 [tilespmem:s10+$0x0]  }
0x92: {  	v13 =	vld @!p0 [tilespmem:s10+$0x20];
	v8 =	vadd.s32 @!p0 v5, v8  }
0x93: {  	v9 =	vadd.s32 @!p0 v1, v9;
	[tilespmem:s10+$0x50] =	vst @!p0 v8;
	v8 =	vld @!p0 [tilespmem:s10+$0x60]  }
0x94: {  	[tilespmem:s10+$0x10] =	vst @!p0 v9;
	v9 =	vadd.s32 @!p0 v3, v10;
	v10 =	vld @!p0 [tilespmem:s10+$0x70]  }
.Ltmp0:
0x95: {  	[tilespmem:s10+$0x30] =	vst @!p0 v9;
	v9 =	vadd.s32 @!p0 v4, v11;
	(pc) =	sbr.rel @p1 .LBB2_2-.Ltmp0, $4  }
0x96: {  	v11 =	vadd.s32 @!p0 v0, v12;
	[tilespmem:s10+$0x40] =	vst @!p0 v9  }
0x97: {  	[tilespmem:s10+$0x0] =	vst @!p0 v11;
	v9 =	vadd.s32 @!p0 v2, v13  }
0x98: {  	s9 =	sadd.s32 $0x10000, s9;
	[tilespmem:s10+$0x20] =	vst @!p0 v9;
	v8 =	vadd.s32 @!p0 v6, v8  }
0x99: {  	[tilespmem:s10+$0x60] =	vst @!p0 v8;
	v8 =	vadd.s32 @!p0 v7, v10  }
0x9a: {  	[tilespmem:s10+$0x70] =	vst @!p0 v8  }
0x9b: {  	[tilespmem:s31], [sflag:s30] =	stream.indirect.gather @!p0 [hbm4b:s1+s12], $0x80, s10, s12, $0xb8;
	[tilespmem:$0x19C00] =	vst v63  }
0x9c: {  	_ =	swait.ge [sflag:s11], $0x4000  }
0x9d: {  	[sflag:s11] =	ssyncset.done $0x0  }
0x9e: {  	p0 =	sgt.u32 s13, $0x2B;
	[sflag:s11] =	ssyncadd.s32 $0xFFFFC000  }
0x9f: {  	[hbm4b:s9+s3] =	stream.linear.scatter [tilespmem:s28], [sflag:s0], $0x4000, $0x38;
	[tilespmem:$0x19C00] =	vst v63  }
0xa0: {  	_ =	swait.ge @!p0 [sflag:s0], $0x4000  }
0xa1: {  	[sflag:s0] =	ssyncset.done @!p0 $0x0  }
0xa2: {  	[sflag:s0] =	ssyncadd.s32 @!p0 $0xFFFFC000  }
0xa3: {  	v8 =	vld @!p0 [tilespmem:s29+$0x50]  }
0xa4: {  	v9 =	vld @!p0 [tilespmem:s29+$0x10]  }
0xa5: {  	v10 =	vld @!p0 [tilespmem:s29+$0x30]  }
0xa6: {  	v11 =	vld @!p0 [tilespmem:s29+$0x40]  }
0xa7: {  	v12 =	vld @!p0 [tilespmem:s29+$0x0]  }
0xa8: {  	v13 =	vld @!p0 [tilespmem:s29+$0x20];
	v8 =	vadd.s32 @!p0 v5, v8  }
0xa9: {  	[tilespmem:s29+$0x50] =	vst @!p0 v8;
	v8 =	vadd.s32 @!p0 v1, v9;
	v9 =	vld @!p0 [tilespmem:s29+$0x60]  }
0xaa: {  	[tilespmem:s29+$0x10] =	vst @!p0 v8;
	v8 =	vadd.s32 @!p0 v3, v10;
	v10 =	vld @!p0 [tilespmem:s29+$0x70]  }
0xab: {  	[tilespmem:s29+$0x30] =	vst @!p0 v8;
	v8 =	vadd.s32 @!p0 v4, v11  }
0xac: {  	v11 =	vadd.s32 @!p0 v0, v12;
	[tilespmem:s29+$0x40] =	vst @!p0 v8  }
0xad: {  	[tilespmem:s29+$0x0] =	vst @!p0 v11;
	v8 =	vadd.s32 @!p0 v2, v13  }
0xae: {  	[tilespmem:s29+$0x20] =	vst @!p0 v8;
	v8 =	vadd.s32 @!p0 v6, v9  }
0xaf: {  	[tilespmem:s29+$0x60] =	vst @!p0 v8;
	v8 =	vadd.s32 @!p0 v7, v10  }
0xb0: {  	s0 =	simm.s32 @!p0 $0x80;
	[tilespmem:s29+$0x70] =	vst @!p0 v8  }
0xb1: {  	[tilespmem:s28], [sflag:s11] =	stream.indirect.gather @!p0 [hbm4b:s1+s0], $0x80, s29, s0, $0xb8;
	[tilespmem:$0x19C00] =	vst v63  }
0xb2: {  	_ =	swait.ge [sflag:s19], $0x4000  }
0xb3: {  	[sflag:s19] =	ssyncset.done $0x0  }
0xb4: {  	[sflag:s19] =	ssyncadd.s32 $0xFFFFC000  }
0xb5: {  	_ =	swait.ge [sflag:s20], $0x4000  }
0xb6: {  	[sflag:s20] =	ssyncset.done $0x0  }
0xb7: {  	[sflag:s20] =	ssyncadd.s32 $0xFFFFC000  }
0xb8: {  	_ =	swait.ge [sflag:s21], $0x4000  }
0xb9: {  	[sflag:s21] =	ssyncset.done $0x0  }
0xba: {  	[sflag:s21] =	ssyncadd.s32 $0xFFFFC000  }
0xbb: {  	_ =	swait.ge [sflag:s22], $0x4000  }
0xbc: {  	[sflag:s22] =	ssyncset.done $0x0  }
0xbd: {  	s25 =	sadd.s32 $0x1, s25;
	[sflag:s22] =	ssyncadd.s32 $0xFFFFC000  }
0xbe: {  	p0 =	sne.s32 s25, s5;
	_ =	swait.ge [sflag:s23], $0x4000  }
.Ltmp1:
0xbf: {  	[sflag:s23] =	ssyncset.done $0x0;
	(pc) =	sbr.rel @p0 .LBB2_1-.Ltmp1, $4  }
0xc0: {  	[sflag:s23] =	ssyncadd.s32 $0xFFFFC000  }
0xc1: {  	_ =	swait.ge [sflag:s24], $0x4000  }
0xc2: {  	[sflag:s24] =	ssyncset.done $0x0  }
0xc3: {  	[sflag:s24] =	ssyncadd.s32 $0xFFFFC000  }
0xc4: {  	_ =	sfence.sel $0x180000  }
0xc5: {  	[bflag:$0x0] =	sbarrier.arrive $0xFFFF  }
0xc6: {  	_ =	strace $0x90000047  }
0xc7: {  	s0 =	stileid.u32;
	[bflag:$0x2] =	sbarrier.arrive $0xFFFF  }
0xc8: {  	p0 =	sne.s32 s0, $0x0;
	s0 =	rddreg [dreg:$0x3]  }
0xc9: {  	s0 =	sadd.s32 @!p0 $0x100000, s0  }
0xca: {  	[sflag:s0] =	ssyncadd.tile.s32 @!p0 $0x1;
	_ =	shalt  }
.Lfunc_end2:
_tile_overlayer_lowered:
.L_overlay_start_2:
0xcb: {  	(tag) =	ssettag $0x2  }
0xcc: {  	s0 =	rddreg [dreg:$0x0];
	s2 =	stileid.u32  }
0xcd: {  	s1 =	rddreg [dreg:$0x1];
	p0 =	sne.s32 s2, $0x0  }
0xce: {  	s3 =	rddreg [dreg:$0x2];
	[bflag:$0x3] =	sbarrier.arrive $0xFFFF;
	s2 =	simm.s32 @!p0 $0x1C0D  }
0xcf: {  	[timem:s3], [sflag:s2] =	dma.local @!p0 [hbm:s0], s1  }
0xd0: {  	s0 =	simm.s32 @!p0 $0xD  }
0xd1: {  	_ =	swait.ge @!p0 [sflag:s0], s1  }
0xd2: {  	s1 =	ssub.s32 @!p0 $0x0, s1;
	[sflag:s0] =	ssyncset.done @!p0 $0x0  }
0xd3: {  	[sflag:s0] =	ssyncadd.s32 @!p0 s1  }
0xd4: {  	[bflag:$0x3] =	sbarrier.arrive $0xFFFF  }
0xd5: {  	_ =	shalt  }

</sc_bundles>
